<compile_context>
chip_gen: v7x
topology: tpu7x:2x2x1
jax: 0.10.2.dev20260603
libtpu: 0.0.44.dev20260713+nightly
codegen_flags: <defaults>
</compile_context>

<pallas_src>
import functools

import jax
import jax.numpy as jnp
from jax import lax
from jax.experimental import pallas as pl
from jax.experimental.pallas import tpu as pltpu
from jax.experimental.pallas import tpu_sc as plsc


@functools.lru_cache(maxsize=None)
def _make_gather(n_b: int, n_t: int, d: int):
    info = plsc.get_sparse_core_info()
    nc, ns, nl = info.num_cores, info.num_subcores, info.num_lanes
    nw = nc * ns
    b_per_w = n_b // nw
    assert n_b % nw == 0 and b_per_w == 2 * nl and d % 8 == 0 and n_t % 2 == 0
    d8 = d // 8
    mesh = plsc.VectorSubcoreMesh(core_axis_name="c", subcore_axis_name="s")

    @functools.partial(
        pl.kernel,
        mesh=mesh,
        compiler_params=pltpu.CompilerParams(
            use_tc_tiling_on_sc=False, needs_layout_passes=False
        ),
        out_type=jax.ShapeDtypeStruct((n_t, d8, (n_b // 128) * 8, 128), jnp.float32),
        scratch_types=[
            pltpu.VMEM((n_t, b_per_w), jnp.int32),
            pltpu.VMEM((nl, d), jnp.float32),
            pltpu.VMEM((nl, d), jnp.float32),
            pltpu.VMEM((d8, 8, b_per_w), jnp.float32),
            pltpu.VMEM((d8, 8, b_per_w), jnp.float32),
            pltpu.SemaphoreType.DMA,
            pltpu.SemaphoreType.DMA,
            pltpu.SemaphoreType.DMA,
            pltpu.SemaphoreType.DMA,
        ],
    )
    def k(idx_t_hbm, table_hbm, out_hbm, idx_v, a0, a1, bb0, bb1, g0, g1, s0, s1):
        wid = lax.axis_index("s") * nc + lax.axis_index("c")
        bw0 = wid * b_per_w
        bh8 = (bw0 // 128) * 8
        bl0 = bw0 % 128
        iota = lax.broadcasted_iota(jnp.int32, (nl,), 0)

        pltpu.sync_copy(idx_t_hbm.at[:, pl.ds(bw0, b_per_w)], idx_v)

        def gather(t, h, abuf, sem):
            pltpu.async_copy(
                table_hbm.at[idx_v.at[t, pl.ds(nl * h, nl)]], abuf, sem
            )

        def wait_gather(abuf, sem):
            pltpu.make_async_copy(
                table_hbm.at[idx_v.at[0, pl.ds(0, nl)]], abuf, sem
            ).wait()

        def transpose(abuf, bbuf, h):
            @plsc.parallel_loop(0, d8, 1, unroll=1)
            def body(e_hi):
                base = jnp.broadcast_to(e_hi * 8, (nl,))
                for e_lo in range(8):
                    v = plsc.load_gather(abuf, [iota, base + e_lo])
                    bbuf[e_hi, e_lo, pl.ds(nl * h, nl)] = v

        def write(t, bbuf, sem):
            pltpu.async_copy(
                bbuf, out_hbm.at[t, :, pl.ds(bh8, 8), pl.ds(bl0, b_per_w)], sem
            )

        def wait_write(bbuf, sem):
            pltpu.make_async_copy(
                bbuf, out_hbm.at[0, :, pl.ds(bh8, 8), pl.ds(bl0, b_per_w)], sem
            ).wait()

        npairs = n_t // 2
        gather(0, 0, a0, g0)

        def pair(tt, c):
            for sel, bbuf, sem in ((0, bb0, s0), (1, bb1, s1)):
                t = 2 * tt + sel
                wait_gather(a0, g0)
                gather(t, 1, a1, g1)

                @pl.when(tt > 0)
                def _():
                    wait_write(bbuf, sem)

                transpose(a0, bbuf, 0)
                wait_gather(a1, g1)
                if sel == 0:
                    gather(t + 1, 0, a0, g0)
                else:

                    @pl.when(tt < npairs - 1)
                    def _():
                        gather(t + 1, 0, a0, g0)

                transpose(a1, bbuf, 1)
                write(t, bbuf, sem)
            return c

        lax.fori_loop(0, npairs, pair, 0)
        wait_write(bb0, s0)
        wait_write(bb1, s1)

    return k


def kernel(idx, embedding_table):
    b, s = idx.shape
    v, d = embedding_table.shape
    idx_t = idx.T.astype(jnp.int32)
    phys = _make_gather(b, s, d)(idx_t, embedding_table)
    phys5 = phys.reshape(s, d // 8, b // 128, 8, 128)
    return phys5.transpose(2, 4, 0, 1, 3).reshape(b, s, d)

# --- scband reference (transcript-rebuilt; emitter-appended) ---
"""Pipeline reference for scband-bigram-language-model-18502719111875 (READ-ONLY COPY).

The authoritative reference and input builder live on the scoring server;
editing this copy changes nothing except your own understanding.
"""

import jax, jax.numpy as jnp
import numpy as np

VOCAB = 1000
BATCH = 1024
SEQ = 50


def setup_inputs(seed: int = 0) -> dict:
    key = jax.random.key(seed)
    k_idx, k_tab = jax.random.split(key)
    idx = jax.random.randint(k_idx, (BATCH, SEQ), 0, VOCAB, dtype=jnp.int64 if jax.config.jax_enable_x64 else jnp.int32)
    # learned parameter: bigram embedding table [vocab, vocab]
    embedding_table = jax.random.normal(k_tab, (VOCAB, VOCAB), dtype=jnp.float32) * 0.02
    return {"idx": idx, "embedding_table": embedding_table}


def reference(idx, embedding_table):
    # nn.Embed lookup: logits[b, t, :] = embedding_table[idx[b, t], :]
    logits = jnp.take(embedding_table, idx, axis=0)
    return logits

if __name__ == "__main__":
    import jax
    _d = setup_inputs()
    print(jax.jit(kernel)(*tuple(_d.values())))

</pallas_src>

<mosaic_0001>
#map = affine_map<(d0, d1) -> (0, 0)>
#map1 = affine_map<(d0, d1) -> (0, 0, 0, 0)>
module attributes {stable_mosaic.version = 14 : i64} {
  func.func @k(%arg0: i32, %arg1: i32, %arg2: memref<50x1024xi32, #tpu.memory_space<hbm>>, %arg3: memref<1000x1000xf32, #tpu.memory_space<hbm>>, %arg4: memref<50x125x64x128xf32, #tpu.memory_space<hbm>>, %arg5: memref<50x32xi32, #tpu.memory_space<vmem>>, %arg6: memref<16x1000xf32, #tpu.memory_space<vmem>>, %arg7: memref<16x1000xf32, #tpu.memory_space<vmem>>, %arg8: memref<125x8x32xf32, #tpu.memory_space<vmem>>, %arg9: memref<125x8x32xf32, #tpu.memory_space<vmem>>, %arg10: memref<!tpu.dma_semaphore, #tpu.memory_space<semaphore_mem>>, %arg11: memref<!tpu.dma_semaphore, #tpu.memory_space<semaphore_mem>>, %arg12: memref<!tpu.dma_semaphore, #tpu.memory_space<semaphore_mem>>, %arg13: memref<!tpu.dma_semaphore, #tpu.memory_space<semaphore_mem>>) attributes {dimension_semantics = [#tpu.dimension_semantics<core_parallel>, #tpu.dimension_semantics<subcore_parallel>], iteration_bounds = array<i64: 2, 16>, scalar_prefetch = 0 : i64, scratch_operands = 9 : i64, tpu.core_type = #tpu.core_type<sc_vector_subcore>, window_params = [{transform_indices = #map}, {transform_indices = #map}, {transform_indices = #map1}]} {
    %mul3A = arith.constant 2 : i32
    %mul3A_0 = arith.muli %arg1, %mul3A : i32
    %add3A = arith.addi %mul3A_0, %arg0 : i32
    %mul3A_1 = arith.constant 32 : i32
    %mul3A_2 = arith.muli %add3A, %mul3A_1 : i32
    %jit3A = arith.constant 128 : i32
    %div3A = arith.divsi %mul3A_2, %jit3A : i32
    %sign3A = arith.constant 0 : i32
    %sign3A_3 = arith.cmpi sgt, %mul3A_2, %sign3A : i32
    %sign3A_4 = arith.extui %sign3A_3 : i1 to i32
    %sign3A_5 = arith.constant 0 : i32
    %sign3A_6 = arith.cmpi slt, %mul3A_2, %sign3A_5 : i32
    %sign3A_7 = arith.extui %sign3A_6 : i1 to i32
    %sign3A_8 = arith.subi %sign3A_4, %sign3A_7 : i32
    %sign3A_9 = arith.constant 0 : i32
    %sign3A_10 = arith.cmpi sgt, %jit3A, %sign3A_9 : i32
    %sign3A_11 = arith.extui %sign3A_10 : i1 to i32
    %sign3A_12 = arith.constant 0 : i32
    %sign3A_13 = arith.cmpi slt, %jit3A, %sign3A_12 : i32
    %sign3A_14 = arith.extui %sign3A_13 : i1 to i32
    %sign3A_15 = arith.subi %sign3A_11, %sign3A_14 : i32
    %ne3A = arith.cmpi ne, %sign3A_8, %sign3A_15 : i32
    %rem3A = arith.remsi %mul3A_2, %jit3A : i32
    %ne3A_16 = arith.constant 0 : i32
    %ne3A_17 = arith.cmpi ne, %rem3A, %ne3A_16 : i32
    %and3A = arith.andi %ne3A, %ne3A_17 : i1
    %sub3A = arith.constant 1 : i32
    %sub3A_18 = arith.subi %div3A, %sub3A : i32
    %select_n3A = arith.select %and3A, %sub3A_18, %div3A : i32
    %mul3A_19 = arith.constant 8 : i32
    %mul3A_20 = arith.muli %select_n3A, %mul3A_19 : i32
    %jit3A_21 = arith.constant 128 : i32
    %eq3A = arith.constant 0 : i32
    %eq3A_22 = arith.cmpi eq, %jit3A_21, %eq3A : i32
    %jit3A_23 = arith.constant 1 : i32
    %select_n3A_24 = arith.select %eq3A_22, %jit3A_23, %jit3A_21 : i32
    %rem3A_25 = arith.remsi %mul3A_2, %select_n3A_24 : i32
    %ne3A_26 = arith.constant 0 : i32
    %ne3A_27 = arith.cmpi ne, %rem3A_25, %ne3A_26 : i32
    %lt3A = arith.constant 0 : i32
    %lt3A_28 = arith.cmpi slt, %rem3A_25, %lt3A : i32
    %lt3A_29 = arith.constant 0 : i32
    %lt3A_30 = arith.cmpi slt, %select_n3A_24, %lt3A_29 : i32
    %ne3A_31 = arith.xori %lt3A_28, %lt3A_30 : i1
    %and3A_32 = arith.andi %ne3A_31, %ne3A_27 : i1
    %add3A_33 = arith.addi %rem3A_25, %select_n3A_24 : i32
    %select_n3A_34 = arith.select %and3A_32, %add3A_33, %rem3A_25 : i32
    %iota3A = tpu.iota {dimensions = array<i32: 0>} : vector<16xi32>
    "tpu.region"() ({
      %run_scoped3A = tpu.sem_alloc : memref<!tpu.dma_semaphore, #tpu.memory_space<semaphore_mem>>
      %dma_start3A_59 = arith.constant 0 : i32
      %dma_start3A_60 = tpu.memref_slice %arg2[%dma_start3A_59, %mul3A_2] : memref<50x1024xi32, #tpu.memory_space<hbm>> -> memref<50x32xi32, #tpu.memory_space<hbm>>
      %dma_start3A_61 = arith.constant 0 : i32
      %dma_start3A_62 = tpu.memref_slice %arg2[%dma_start3A_61, %mul3A_2] : memref<50x1024xi32, #tpu.memory_space<hbm>> -> memref<50x32xi32, #tpu.memory_space<hbm>>
      tpu.enqueue_dma source(%dma_start3A_62 : memref<50x32xi32, #tpu.memory_space<hbm>>) target(%arg5 : memref<50x32xi32, #tpu.memory_space<vmem>>) target_semaphore(%run_scoped3A : memref<!tpu.dma_semaphore, #tpu.memory_space<semaphore_mem>>)
      %dma_wait3A_63 = arith.constant 0 : i32
      %dma_wait3A_64 = tpu.memref_slice %arg2[%dma_wait3A_63, %mul3A_2] : memref<50x1024xi32, #tpu.memory_space<hbm>> -> memref<50x32xi32, #tpu.memory_space<hbm>>
      %dma_wait3A_65 = arith.constant 0 : i32
      %dma_wait3A_66 = tpu.memref_slice %arg2[%dma_wait3A_65, %mul3A_2] : memref<50x1024xi32, #tpu.memory_space<hbm>> -> memref<50x32xi32, #tpu.memory_space<hbm>>
      tpu.wait_dma2 semaphore(%run_scoped3A : memref<!tpu.dma_semaphore, #tpu.memory_space<semaphore_mem>>) src(%dma_wait3A_66 : memref<50x32xi32, #tpu.memory_space<hbm>>) dst(%arg5 : memref<50x32xi32, #tpu.memory_space<vmem>>)
      tpu.yield
    }) : () -> ()
    %dma_start3A = arith.constant 0 : i32
    %dma_start3A_35 = arith.constant 0 : i32
    %dma_start3A_36 = tpu.memref_slice %arg5[%dma_start3A, %dma_start3A_35] : memref<50x32xi32, #tpu.memory_space<vmem>> -> memref<1x16xi32, #tpu.memory_space<vmem>>
    %dma_start3A_37 = tpu.memref_squeeze %dma_start3A_36 : memref<1x16xi32, #tpu.memory_space<vmem>> -> memref<16xi32, #tpu.memory_space<vmem>>
    %dma_start3A_38 = arith.constant 0 : i32
    %dma_start3A_39 = arith.constant 0 : i32
    %dma_start3A_40 = tpu.memref_slice %arg3[%dma_start3A_38, %dma_start3A_39] : memref<1000x1000xf32, #tpu.memory_space<hbm>> -> memref<1000x1000xf32, #tpu.memory_space<hbm>>
    tpu.enqueue_indirect_dma source(%dma_start3A_40 : memref<1000x1000xf32, #tpu.memory_space<hbm>>) target(%arg6 : memref<16x1000xf32, #tpu.memory_space<vmem>>) offsets(%dma_start3A_37 : memref<16xi32, #tpu.memory_space<vmem>>) semaphore(%arg10 : memref<!tpu.dma_semaphore, #tpu.memory_space<semaphore_mem>>)
    %scan3A = arith.constant 0 : i32
    %scan3A_41 = arith.constant 0 : i32
    %scan3A_42 = arith.constant 25 : i32
    %scan3A_43 = arith.addi %scan3A_41, %scan3A_42 : i32
    %scan3A_44 = arith.constant 1 : i32
    scf.for %scan3A_59 = %scan3A_41 to %scan3A_43 step %scan3A_44  : i32 {
      %mul3A_60 = arith.constant 2 : i32
      %mul3A_61 = arith.muli %mul3A_60, %scan3A_59 : i32
      %add3A_62 = arith.constant 0 : i32
      %add3A_63 = arith.addi %mul3A_61, %add3A_62 : i32
      %dma_wait3A_64 = arith.constant 0 : i32
      %dma_wait3A_65 = arith.constant 0 : i32
      %dma_wait3A_66 = tpu.memref_slice %arg5[%dma_wait3A_64, %dma_wait3A_65] : memref<50x32xi32, #tpu.memory_space<vmem>> -> memref<1x16xi32, #tpu.memory_space<vmem>>
      %dma_wait3A_67 = tpu.memref_squeeze %dma_wait3A_66 : memref<1x16xi32, #tpu.memory_space<vmem>> -> memref<16xi32, #tpu.memory_space<vmem>>
      %dma_wait3A_68 = arith.constant 0 : i32
      %dma_wait3A_69 = arith.constant 0 : i32
      %dma_wait3A_70 = tpu.memref_slice %arg3[%dma_wait3A_68, %dma_wait3A_69] : memref<1000x1000xf32, #tpu.memory_space<hbm>> -> memref<1000x1000xf32, #tpu.memory_space<hbm>>
      tpu.wait_indirect_dma semaphore(%arg10 : memref<!tpu.dma_semaphore, #tpu.memory_space<semaphore_mem>>) src(%dma_wait3A_70 : memref<1000x1000xf32, #tpu.memory_space<hbm>>) dst(%arg6 : memref<16x1000xf32, #tpu.memory_space<vmem>>)
      %dma_start3A_71 = arith.constant 16 : i32
      %dma_start3A_72 = tpu.memref_slice %arg5[%add3A_63, %dma_start3A_71] : memref<50x32xi32, #tpu.memory_space<vmem>> -> memref<1x16xi32, #tpu.memory_space<vmem>>
      %dma_start3A_73 = tpu.memref_squeeze %dma_start3A_72 : memref<1x16xi32, #tpu.memory_space<vmem>> -> memref<16xi32, #tpu.memory_space<vmem>>
      %dma_start3A_74 = arith.constant 0 : i32
      %dma_start3A_75 = arith.constant 0 : i32
      %dma_start3A_76 = tpu.memref_slice %arg3[%dma_start3A_74, %dma_start3A_75] : memref<1000x1000xf32, #tpu.memory_space<hbm>> -> memref<1000x1000xf32, #tpu.memory_space<hbm>>
      tpu.enqueue_indirect_dma source(%dma_start3A_76 : memref<1000x1000xf32, #tpu.memory_space<hbm>>) target(%arg7 : memref<16x1000xf32, #tpu.memory_space<vmem>>) offsets(%dma_start3A_73 : memref<16xi32, #tpu.memory_space<vmem>>) semaphore(%arg11 : memref<!tpu.dma_semaphore, #tpu.memory_space<semaphore_mem>>)
      %gt3A = arith.constant 0 : i32
      %gt3A_77 = arith.cmpi sgt, %scan3A_59, %gt3A : i32
      %convert_element_type3A = arith.extui %gt3A_77 : i1 to i32
      %cond3A = arith.constant 0 : i32
      %cond3A_78 = arith.cmpi ne, %convert_element_type3A, %cond3A : i32
      scf.if %cond3A_78 {
        %dma_wait3A_151 = arith.constant 0 : i32
        %dma_wait3A_152 = arith.constant 0 : i32
        %dma_wait3A_153 = tpu.memref_slice %arg4[%dma_wait3A_151, %dma_wait3A_152, %mul3A_20, %select_n3A_34] : memref<50x125x64x128xf32, #tpu.memory_space<hbm>> -> memref<1x125x8x32xf32, #tpu.memory_space<hbm>>
        %dma_wait3A_154 = tpu.memref_squeeze %dma_wait3A_153 : memref<1x125x8x32xf32, #tpu.memory_space<hbm>> -> memref<125x8x32xf32, #tpu.memory_space<hbm>>
        %dma_wait3A_155 = arith.constant 0 : i32
        %dma_wait3A_156 = tpu.memref_slice %arg4[%dma_wait3A_151, %dma_wait3A_155, %mul3A_20, %select_n3A_34] : memref<50x125x64x128xf32, #tpu.memory_space<hbm>> -> memref<1x125x8x32xf32, #tpu.memory_space<hbm>>
        %dma_wait3A_157 = tpu.memref_squeeze %dma_wait3A_156 : memref<1x125x8x32xf32, #tpu.memory_space<hbm>> -> memref<125x8x32xf32, #tpu.memory_space<hbm>>
        tpu.wait_dma2 semaphore(%arg12 : memref<!tpu.dma_semaphore, #tpu.memory_space<semaphore_mem>>) src(%arg8 : memref<125x8x32xf32, #tpu.memory_space<vmem>>) dst(%dma_wait3A_157 : memref<125x8x32xf32, #tpu.memory_space<hbm>>)
      } else {
      }
      %parallel_loop3A = arith.constant 0 : i32
      %parallel_loop3A_79 = arith.constant 125 : i32
      %parallel_loop3A_80 = arith.constant 1 : i32
      scf.for %parallel_loop3A_151 = %parallel_loop3A to %parallel_loop3A_79 step %parallel_loop3A_80  : i32 {
        %parallel_loop3A_152 = arith.constant 8 : i32
        %parallel_loop3A_153 = arith.muli %parallel_loop3A_151, %parallel_loop3A_152 : i32
        %parallel_loop3A_154 = vector.broadcast %parallel_loop3A_153 : i32 to vector<16xi32>
        %parallel_loop3A_155 = arith.constant 0 : i32
        %parallel_loop3A_156 = vector.broadcast %parallel_loop3A_155 : i32 to vector<16xi32>
        %parallel_loop3A_157 = arith.addi %parallel_loop3A_154, %parallel_loop3A_156 : vector<16xi32>
        %parallel_loop3A_158 = tpu.vector_load_idx %arg6[%iota3A, %parallel_loop3A_157] : memref<16x1000xf32, #tpu.memory_space<vmem>>[vector<16xi32>, vector<16xi32>], vector<16xf32>,
        %parallel_loop3A_159 = arith.constant 0 : i32
        %parallel_loop3A_160 = arith.index_cast %parallel_loop3A_151 : i32 to index
        %parallel_loop3A_161 = arith.index_cast %parallel_loop3A_159 : i32 to index
        %parallel_loop3A_162 = arith.constant 0 : index
        %parallel_loop3A_163 = tpu.vector_load %arg8[%parallel_loop3A_160, %parallel_loop3A_161, %parallel_loop3A_162] {strides = array<i32>} : memref<125x8x32xf32, #tpu.memory_space<vmem>>, vector<16xf32>,
        tpu.vector_store %arg8[%parallel_loop3A_160, %parallel_loop3A_161, %parallel_loop3A_162], %parallel_loop3A_158 {strides = array<i32>} : memref<125x8x32xf32, #tpu.memory_space<vmem>>, vector<16xf32>,
        %parallel_loop3A_164 = arith.constant 1 : i32
        %parallel_loop3A_165 = vector.broadcast %parallel_loop3A_164 : i32 to vector<16xi32>
        %parallel_loop3A_166 = arith.addi %parallel_loop3A_154, %parallel_loop3A_165 : vector<16xi32>
        %parallel_loop3A_167 = tpu.vector_load_idx %arg6[%iota3A, %parallel_loop3A_166] : memref<16x1000xf32, #tpu.memory_space<vmem>>[vector<16xi32>, vector<16xi32>], vector<16xf32>,
        %parallel_loop3A_168 = arith.constant 1 : i32
        %parallel_loop3A_169 = arith.index_cast %parallel_loop3A_151 : i32 to index
        %parallel_loop3A_170 = arith.index_cast %parallel_loop3A_168 : i32 to index
        %parallel_loop3A_171 = arith.constant 0 : index
        %parallel_loop3A_172 = tpu.vector_load %arg8[%parallel_loop3A_169, %parallel_loop3A_170, %parallel_loop3A_171] {strides = array<i32>} : memref<125x8x32xf32, #tpu.memory_space<vmem>>, vector<16xf32>,
        tpu.vector_store %arg8[%parallel_loop3A_169, %parallel_loop3A_170, %parallel_loop3A_171], %parallel_loop3A_167 {strides = array<i32>} : memref<125x8x32xf32, #tpu.memory_space<vmem>>, vector<16xf32>,
        %parallel_loop3A_173 = arith.constant 2 : i32
        %parallel_loop3A_174 = vector.broadcast %parallel_loop3A_173 : i32 to vector<16xi32>
        %parallel_loop3A_175 = arith.addi %parallel_loop3A_154, %parallel_loop3A_174 : vector<16xi32>
        %parallel_loop3A_176 = tpu.vector_load_idx %arg6[%iota3A, %parallel_loop3A_175] : memref<16x1000xf32, #tpu.memory_space<vmem>>[vector<16xi32>, vector<16xi32>], vector<16xf32>,
        %parallel_loop3A_177 = arith.constant 2 : i32
        %parallel_loop3A_178 = arith.index_cast %parallel_loop3A_151 : i32 to index
        %parallel_loop3A_179 = arith.index_cast %parallel_loop3A_177 : i32 to index
        %parallel_loop3A_180 = arith.constant 0 : index
        %parallel_loop3A_181 = tpu.vector_load %arg8[%parallel_loop3A_178, %parallel_loop3A_179, %parallel_loop3A_180] {strides = array<i32>} : memref<125x8x32xf32, #tpu.memory_space<vmem>>, vector<16xf32>,
        tpu.vector_store %arg8[%parallel_loop3A_178, %parallel_loop3A_179, %parallel_loop3A_180], %parallel_loop3A_176 {strides = array<i32>} : memref<125x8x32xf32, #tpu.memory_space<vmem>>, vector<16xf32>,
        %parallel_loop3A_182 = arith.constant 3 : i32
        %parallel_loop3A_183 = vector.broadcast %parallel_loop3A_182 : i32 to vector<16xi32>
        %parallel_loop3A_184 = arith.addi %parallel_loop3A_154, %parallel_loop3A_183 : vector<16xi32>
        %parallel_loop3A_185 = tpu.vector_load_idx %arg6[%iota3A, %parallel_loop3A_184] : memref<16x1000xf32, #tpu.memory_space<vmem>>[vector<16xi32>, vector<16xi32>], vector<16xf32>,
        %parallel_loop3A_186 = arith.constant 3 : i32
        %parallel_loop3A_187 = arith.index_cast %parallel_loop3A_151 : i32 to index
        %parallel_loop3A_188 = arith.index_cast %parallel_loop3A_186 : i32 to index
        %parallel_loop3A_189 = arith.constant 0 : index
        %parallel_loop3A_190 = tpu.vector_load %arg8[%parallel_loop3A_187, %parallel_loop3A_188, %parallel_loop3A_189] {strides = array<i32>} : memref<125x8x32xf32, #tpu.memory_space<vmem>>, vector<16xf32>,
        tpu.vector_store %arg8[%parallel_loop3A_187, %parallel_loop3A_188, %parallel_loop3A_189], %parallel_loop3A_185 {strides = array<i32>} : memref<125x8x32xf32, #tpu.memory_space<vmem>>, vector<16xf32>,
        %parallel_loop3A_191 = arith.constant 4 : i32
        %parallel_loop3A_192 = vector.broadcast %parallel_loop3A_191 : i32 to vector<16xi32>
        %parallel_loop3A_193 = arith.addi %parallel_loop3A_154, %parallel_loop3A_192 : vector<16xi32>
        %parallel_loop3A_194 = tpu.vector_load_idx %arg6[%iota3A, %parallel_loop3A_193] : memref<16x1000xf32, #tpu.memory_space<vmem>>[vector<16xi32>, vector<16xi32>], vector<16xf32>,
        %parallel_loop3A_195 = arith.constant 4 : i32
        %parallel_loop3A_196 = arith.index_cast %parallel_loop3A_151 : i32 to index
        %parallel_loop3A_197 = arith.index_cast %parallel_loop3A_195 : i32 to index
        %parallel_loop3A_198 = arith.constant 0 : index
        %parallel_loop3A_199 = tpu.vector_load %arg8[%parallel_loop3A_196, %parallel_loop3A_197, %parallel_loop3A_198] {strides = array<i32>} : memref<125x8x32xf32, #tpu.memory_space<vmem>>, vector<16xf32>,
        tpu.vector_store %arg8[%parallel_loop3A_196, %parallel_loop3A_197, %parallel_loop3A_198], %parallel_loop3A_194 {strides = array<i32>} : memref<125x8x32xf32, #tpu.memory_space<vmem>>, vector<16xf32>,
        %parallel_loop3A_200 = arith.constant 5 : i32
        %parallel_loop3A_201 = vector.broadcast %parallel_loop3A_200 : i32 to vector<16xi32>
        %parallel_loop3A_202 = arith.addi %parallel_loop3A_154, %parallel_loop3A_201 : vector<16xi32>
        %parallel_loop3A_203 = tpu.vector_load_idx %arg6[%iota3A, %parallel_loop3A_202] : memref<16x1000xf32, #tpu.memory_space<vmem>>[vector<16xi32>, vector<16xi32>], vector<16xf32>,
        %parallel_loop3A_204 = arith.constant 5 : i32
        %parallel_loop3A_205 = arith.index_cast %parallel_loop3A_151 : i32 to index
        %parallel_loop3A_206 = arith.index_cast %parallel_loop3A_204 : i32 to index
        %parallel_loop3A_207 = arith.constant 0 : index
        %parallel_loop3A_208 = tpu.vector_load %arg8[%parallel_loop3A_205, %parallel_loop3A_206, %parallel_loop3A_207] {strides = array<i32>} : memref<125x8x32xf32, #tpu.memory_space<vmem>>, vector<16xf32>,
        tpu.vector_store %arg8[%parallel_loop3A_205, %parallel_loop3A_206, %parallel_loop3A_207], %parallel_loop3A_203 {strides = array<i32>} : memref<125x8x32xf32, #tpu.memory_space<vmem>>, vector<16xf32>,
        %parallel_loop3A_209 = arith.constant 6 : i32
        %parallel_loop3A_210 = vector.broadcast %parallel_loop3A_209 : i32 to vector<16xi32>
        %parallel_loop3A_211 = arith.addi %parallel_loop3A_154, %parallel_loop3A_210 : vector<16xi32>
        %parallel_loop3A_212 = tpu.vector_load_idx %arg6[%iota3A, %parallel_loop3A_211] : memref<16x1000xf32, #tpu.memory_space<vmem>>[vector<16xi32>, vector<16xi32>], vector<16xf32>,
        %parallel_loop3A_213 = arith.constant 6 : i32
        %parallel_loop3A_214 = arith.index_cast %parallel_loop3A_151 : i32 to index
        %parallel_loop3A_215 = arith.index_cast %parallel_loop3A_213 : i32 to index
        %parallel_loop3A_216 = arith.constant 0 : index
        %parallel_loop3A_217 = tpu.vector_load %arg8[%parallel_loop3A_214, %parallel_loop3A_215, %parallel_loop3A_216] {strides = array<i32>} : memref<125x8x32xf32, #tpu.memory_space<vmem>>, vector<16xf32>,
        tpu.vector_store %arg8[%parallel_loop3A_214, %parallel_loop3A_215, %parallel_loop3A_216], %parallel_loop3A_212 {strides = array<i32>} : memref<125x8x32xf32, #tpu.memory_space<vmem>>, vector<16xf32>,
        %parallel_loop3A_218 = arith.constant 7 : i32
        %parallel_loop3A_219 = vector.broadcast %parallel_loop3A_218 : i32 to vector<16xi32>
        %parallel_loop3A_220 = arith.addi %parallel_loop3A_154, %parallel_loop3A_219 : vector<16xi32>
        %parallel_loop3A_221 = tpu.vector_load_idx %arg6[%iota3A, %parallel_loop3A_220] : memref<16x1000xf32, #tpu.memory_space<vmem>>[vector<16xi32>, vector<16xi32>], vector<16xf32>,
        %parallel_loop3A_222 = arith.constant 7 : i32
        %parallel_loop3A_223 = arith.index_cast %parallel_loop3A_151 : i32 to index
        %parallel_loop3A_224 = arith.index_cast %parallel_loop3A_222 : i32 to index
        %parallel_loop3A_225 = arith.constant 0 : index
        %parallel_loop3A_226 = tpu.vector_load %arg8[%parallel_loop3A_223, %parallel_loop3A_224, %parallel_loop3A_225] {strides = array<i32>} : memref<125x8x32xf32, #tpu.memory_space<vmem>>, vector<16xf32>,
        tpu.vector_store %arg8[%parallel_loop3A_223, %parallel_loop3A_224, %parallel_loop3A_225], %parallel_loop3A_221 {strides = array<i32>} : memref<125x8x32xf32, #tpu.memory_space<vmem>>, vector<16xf32>,
      } {sc.loop_unroll_factor = 1 : i64, sc.parallel_access}
      %dma_wait3A_81 = arith.constant 0 : i32
      %dma_wait3A_82 = arith.constant 0 : i32
      %dma_wait3A_83 = tpu.memref_slice %arg5[%dma_wait3A_81, %dma_wait3A_82] : memref<50x32xi32, #tpu.memory_space<vmem>> -> memref<1x16xi32, #tpu.memory_space<vmem>>
      %dma_wait3A_84 = tpu.memref_squeeze %dma_wait3A_83 : memref<1x16xi32, #tpu.memory_space<vmem>> -> memref<16xi32, #tpu.memory_space<vmem>>
      %dma_wait3A_85 = arith.constant 0 : i32
      %dma_wait3A_86 = arith.constant 0 : i32
      %dma_wait3A_87 = tpu.memref_slice %arg3[%dma_wait3A_85, %dma_wait3A_86] : memref<1000x1000xf32, #tpu.memory_space<hbm>> -> memref<1000x1000xf32, #tpu.memory_space<hbm>>
      tpu.wait_indirect_dma semaphore(%arg11 : memref<!tpu.dma_semaphore, #tpu.memory_space<semaphore_mem>>) src(%dma_wait3A_87 : memref<1000x1000xf32, #tpu.memory_space<hbm>>) dst(%arg7 : memref<16x1000xf32, #tpu.memory_space<vmem>>)
      %add3A_88 = arith.constant 1 : i32
      %add3A_89 = arith.addi %add3A_63, %add3A_88 : i32
      %dma_start3A_90 = arith.constant 0 : i32
      %dma_start3A_91 = tpu.memref_slice %arg5[%add3A_89, %dma_start3A_90] : memref<50x32xi32, #tpu.memory_space<vmem>> -> memref<1x16xi32, #tpu.memory_space<vmem>>
      %dma_start3A_92 = tpu.memref_squeeze %dma_start3A_91 : memref<1x16xi32, #tpu.memory_space<vmem>> -> memref<16xi32, #tpu.memory_space<vmem>>
      %dma_start3A_93 = arith.constant 0 : i32
      %dma_start3A_94 = arith.constant 0 : i32
      %dma_start3A_95 = tpu.memref_slice %arg3[%dma_start3A_93, %dma_start3A_94] : memref<1000x1000xf32, #tpu.memory_space<hbm>> -> memref<1000x1000xf32, #tpu.memory_space<hbm>>
      tpu.enqueue_indirect_dma source(%dma_start3A_95 : memref<1000x1000xf32, #tpu.memory_space<hbm>>) target(%arg6 : memref<16x1000xf32, #tpu.memory_space<vmem>>) offsets(%dma_start3A_92 : memref<16xi32, #tpu.memory_space<vmem>>) semaphore(%arg10 : memref<!tpu.dma_semaphore, #tpu.memory_space<semaphore_mem>>)
      %parallel_loop3A_96 = arith.constant 0 : i32
      %parallel_loop3A_97 = arith.constant 125 : i32
      %parallel_loop3A_98 = arith.constant 1 : i32
      scf.for %parallel_loop3A_151 = %parallel_loop3A_96 to %parallel_loop3A_97 step %parallel_loop3A_98  : i32 {
        %parallel_loop3A_152 = arith.constant 8 : i32
        %parallel_loop3A_153 = arith.muli %parallel_loop3A_151, %parallel_loop3A_152 : i32
        %parallel_loop3A_154 = vector.broadcast %parallel_loop3A_153 : i32 to vector<16xi32>
        %parallel_loop3A_155 = arith.constant 0 : i32
        %parallel_loop3A_156 = vector.broadcast %parallel_loop3A_155 : i32 to vector<16xi32>
        %parallel_loop3A_157 = arith.addi %parallel_loop3A_154, %parallel_loop3A_156 : vector<16xi32>
        %parallel_loop3A_158 = tpu.vector_load_idx %arg7[%iota3A, %parallel_loop3A_157] : memref<16x1000xf32, #tpu.memory_space<vmem>>[vector<16xi32>, vector<16xi32>], vector<16xf32>,
        %parallel_loop3A_159 = arith.constant 0 : i32
        %parallel_loop3A_160 = arith.index_cast %parallel_loop3A_151 : i32 to index
        %parallel_loop3A_161 = arith.index_cast %parallel_loop3A_159 : i32 to index
        %parallel_loop3A_162 = arith.constant 16 : index
        %parallel_loop3A_163 = tpu.vector_load %arg8[%parallel_loop3A_160, %parallel_loop3A_161, %parallel_loop3A_162] {strides = array<i32>} : memref<125x8x32xf32, #tpu.memory_space<vmem>>, vector<16xf32>,
        tpu.vector_store %arg8[%parallel_loop3A_160, %parallel_loop3A_161, %parallel_loop3A_162], %parallel_loop3A_158 {strides = array<i32>} : memref<125x8x32xf32, #tpu.memory_space<vmem>>, vector<16xf32>,
        %parallel_loop3A_164 = arith.constant 1 : i32
        %parallel_loop3A_165 = vector.broadcast %parallel_loop3A_164 : i32 to vector<16xi32>
        %parallel_loop3A_166 = arith.addi %parallel_loop3A_154, %parallel_loop3A_165 : vector<16xi32>
        %parallel_loop3A_167 = tpu.vector_load_idx %arg7[%iota3A, %parallel_loop3A_166] : memref<16x1000xf32, #tpu.memory_space<vmem>>[vector<16xi32>, vector<16xi32>], vector<16xf32>,
        %parallel_loop3A_168 = arith.constant 1 : i32
        %parallel_loop3A_169 = arith.index_cast %parallel_loop3A_151 : i32 to index
        %parallel_loop3A_170 = arith.index_cast %parallel_loop3A_168 : i32 to index
        %parallel_loop3A_171 = arith.constant 16 : index
        %parallel_loop3A_172 = tpu.vector_load %arg8[%parallel_loop3A_169, %parallel_loop3A_170, %parallel_loop3A_171] {strides = array<i32>} : memref<125x8x32xf32, #tpu.memory_space<vmem>>, vector<16xf32>,
        tpu.vector_store %arg8[%parallel_loop3A_169, %parallel_loop3A_170, %parallel_loop3A_171], %parallel_loop3A_167 {strides = array<i32>} : memref<125x8x32xf32, #tpu.memory_space<vmem>>, vector<16xf32>,
        %parallel_loop3A_173 = arith.constant 2 : i32
        %parallel_loop3A_174 = vector.broadcast %parallel_loop3A_173 : i32 to vector<16xi32>
        %parallel_loop3A_175 = arith.addi %parallel_loop3A_154, %parallel_loop3A_174 : vector<16xi32>
        %parallel_loop3A_176 = tpu.vector_load_idx %arg7[%iota3A, %parallel_loop3A_175] : memref<16x1000xf32, #tpu.memory_space<vmem>>[vector<16xi32>, vector<16xi32>], vector<16xf32>,
        %parallel_loop3A_177 = arith.constant 2 : i32
        %parallel_loop3A_178 = arith.index_cast %parallel_loop3A_151 : i32 to index
        %parallel_loop3A_179 = arith.index_cast %parallel_loop3A_177 : i32 to index
        %parallel_loop3A_180 = arith.constant 16 : index
        %parallel_loop3A_181 = tpu.vector_load %arg8[%parallel_loop3A_178, %parallel_loop3A_179, %parallel_loop3A_180] {strides = array<i32>} : memref<125x8x32xf32, #tpu.memory_space<vmem>>, vector<16xf32>,
        tpu.vector_store %arg8[%parallel_loop3A_178, %parallel_loop3A_179, %parallel_loop3A_180], %parallel_loop3A_176 {strides = array<i32>} : memref<125x8x32xf32, #tpu.memory_space<vmem>>, vector<16xf32>,
        %parallel_loop3A_182 = arith.constant 3 : i32
        %parallel_loop3A_183 = vector.broadcast %parallel_loop3A_182 : i32 to vector<16xi32>
        %parallel_loop3A_184 = arith.addi %parallel_loop3A_154, %parallel_loop3A_183 : vector<16xi32>
        %parallel_loop3A_185 = tpu.vector_load_idx %arg7[%iota3A, %parallel_loop3A_184] : memref<16x1000xf32, #tpu.memory_space<vmem>>[vector<16xi32>, vector<16xi32>], vector<16xf32>,
        %parallel_loop3A_186 = arith.constant 3 : i32
        %parallel_loop3A_187 = arith.index_cast %parallel_loop3A_151 : i32 to index
        %parallel_loop3A_188 = arith.index_cast %parallel_loop3A_186 : i32 to index
        %parallel_loop3A_189 = arith.constant 16 : index
        %parallel_loop3A_190 = tpu.vector_load %arg8[%parallel_loop3A_187, %parallel_loop3A_188, %parallel_loop3A_189] {strides = array<i32>} : memref<125x8x32xf32, #tpu.memory_space<vmem>>, vector<16xf32>,
        tpu.vector_store %arg8[%parallel_loop3A_187, %parallel_loop3A_188, %parallel_loop3A_189], %parallel_loop3A_185 {strides = array<i32>} : memref<125x8x32xf32, #tpu.memory_space<vmem>>, vector<16xf32>,
        %parallel_loop3A_191 = arith.constant 4 : i32
        %parallel_loop3A_192 = vector.broadcast %parallel_loop3A_191 : i32 to vector<16xi32>
        %parallel_loop3A_193 = arith.addi %parallel_loop3A_154, %parallel_loop3A_192 : vector<16xi32>
        %parallel_loop3A_194 = tpu.vector_load_idx %arg7[%iota3A, %parallel_loop3A_193] : memref<16x1000xf32, #tpu.memory_space<vmem>>[vector<16xi32>, vector<16xi32>], vector<16xf32>,
        %parallel_loop3A_195 = arith.constant 4 : i32
        %parallel_loop3A_196 = arith.index_cast %parallel_loop3A_151 : i32 to index
        %parallel_loop3A_197 = arith.index_cast %parallel_loop3A_195 : i32 to index
        %parallel_loop3A_198 = arith.constant 16 : index
        %parallel_loop3A_199 = tpu.vector_load %arg8[%parallel_loop3A_196, %parallel_loop3A_197, %parallel_loop3A_198] {strides = array<i32>} : memref<125x8x32xf32, #tpu.memory_space<vmem>>, vector<16xf32>,
        tpu.vector_store %arg8[%parallel_loop3A_196, %parallel_loop3A_197, %parallel_loop3A_198], %parallel_loop3A_194 {strides = array<i32>} : memref<125x8x32xf32, #tpu.memory_space<vmem>>, vector<16xf32>,
        %parallel_loop3A_200 = arith.constant 5 : i32
        %parallel_loop3A_201 = vector.broadcast %parallel_loop3A_200 : i32 to vector<16xi32>
        %parallel_loop3A_202 = arith.addi %parallel_loop3A_154, %parallel_loop3A_201 : vector<16xi32>
        %parallel_loop3A_203 = tpu.vector_load_idx %arg7[%iota3A, %parallel_loop3A_202] : memref<16x1000xf32, #tpu.memory_space<vmem>>[vector<16xi32>, vector<16xi32>], vector<16xf32>,
        %parallel_loop3A_204 = arith.constant 5 : i32
        %parallel_loop3A_205 = arith.index_cast %parallel_loop3A_151 : i32 to index
        %parallel_loop3A_206 = arith.index_cast %parallel_loop3A_204 : i32 to index
        %parallel_loop3A_207 = arith.constant 16 : index
        %parallel_loop3A_208 = tpu.vector_load %arg8[%parallel_loop3A_205, %parallel_loop3A_206, %parallel_loop3A_207] {strides = array<i32>} : memref<125x8x32xf32, #tpu.memory_space<vmem>>, vector<16xf32>,
        tpu.vector_store %arg8[%parallel_loop3A_205, %parallel_loop3A_206, %parallel_loop3A_207], %parallel_loop3A_203 {strides = array<i32>} : memref<125x8x32xf32, #tpu.memory_space<vmem>>, vector<16xf32>,
        %parallel_loop3A_209 = arith.constant 6 : i32
        %parallel_loop3A_210 = vector.broadcast %parallel_loop3A_209 : i32 to vector<16xi32>
        %parallel_loop3A_211 = arith.addi %parallel_loop3A_154, %parallel_loop3A_210 : vector<16xi32>
        %parallel_loop3A_212 = tpu.vector_load_idx %arg7[%iota3A, %parallel_loop3A_211] : memref<16x1000xf32, #tpu.memory_space<vmem>>[vector<16xi32>, vector<16xi32>], vector<16xf32>,
        %parallel_loop3A_213 = arith.constant 6 : i32
        %parallel_loop3A_214 = arith.index_cast %parallel_loop3A_151 : i32 to index
        %parallel_loop3A_215 = arith.index_cast %parallel_loop3A_213 : i32 to index
        %parallel_loop3A_216 = arith.constant 16 : index
        %parallel_loop3A_217 = tpu.vector_load %arg8[%parallel_loop3A_214, %parallel_loop3A_215, %parallel_loop3A_216] {strides = array<i32>} : memref<125x8x32xf32, #tpu.memory_space<vmem>>, vector<16xf32>,
        tpu.vector_store %arg8[%parallel_loop3A_214, %parallel_loop3A_215, %parallel_loop3A_216], %parallel_loop3A_212 {strides = array<i32>} : memref<125x8x32xf32, #tpu.memory_space<vmem>>, vector<16xf32>,
        %parallel_loop3A_218 = arith.constant 7 : i32
        %parallel_loop3A_219 = vector.broadcast %parallel_loop3A_218 : i32 to vector<16xi32>
        %parallel_loop3A_220 = arith.addi %parallel_loop3A_154, %parallel_loop3A_219 : vector<16xi32>
        %parallel_loop3A_221 = tpu.vector_load_idx %arg7[%iota3A, %parallel_loop3A_220] : memref<16x1000xf32, #tpu.memory_space<vmem>>[vector<16xi32>, vector<16xi32>], vector<16xf32>,
        %parallel_loop3A_222 = arith.constant 7 : i32
        %parallel_loop3A_223 = arith.index_cast %parallel_loop3A_151 : i32 to index
        %parallel_loop3A_224 = arith.index_cast %parallel_loop3A_222 : i32 to index
        %parallel_loop3A_225 = arith.constant 16 : index
        %parallel_loop3A_226 = tpu.vector_load %arg8[%parallel_loop3A_223, %parallel_loop3A_224, %parallel_loop3A_225] {strides = array<i32>} : memref<125x8x32xf32, #tpu.memory_space<vmem>>, vector<16xf32>,
        tpu.vector_store %arg8[%parallel_loop3A_223, %parallel_loop3A_224, %parallel_loop3A_225], %parallel_loop3A_221 {strides = array<i32>} : memref<125x8x32xf32, #tpu.memory_space<vmem>>, vector<16xf32>,
      } {sc.loop_unroll_factor = 1 : i64, sc.parallel_access}
      %dma_start3A_99 = arith.constant 0 : i32
      %dma_start3A_100 = tpu.memref_slice %arg4[%add3A_63, %dma_start3A_99, %mul3A_20, %select_n3A_34] : memref<50x125x64x128xf32, #tpu.memory_space<hbm>> -> memref<1x125x8x32xf32, #tpu.memory_space<hbm>>
      %dma_start3A_101 = tpu.memref_squeeze %dma_start3A_100 : memref<1x125x8x32xf32, #tpu.memory_space<hbm>> -> memref<125x8x32xf32, #tpu.memory_space<hbm>>
      %dma_start3A_102 = arith.constant 0 : i32
      %dma_start3A_103 = tpu.memref_slice %arg4[%add3A_63, %dma_start3A_102, %mul3A_20, %select_n3A_34] : memref<50x125x64x128xf32, #tpu.memory_space<hbm>> -> memref<1x125x8x32xf32, #tpu.memory_space<hbm>>
      %dma_start3A_104 = tpu.memref_squeeze %dma_start3A_103 : memref<1x125x8x32xf32, #tpu.memory_space<hbm>> -> memref<125x8x32xf32, #tpu.memory_space<hbm>>
      tpu.enqueue_dma source(%arg8 : memref<125x8x32xf32, #tpu.memory_space<vmem>>) target(%dma_start3A_104 : memref<125x8x32xf32, #tpu.memory_space<hbm>>) target_semaphore(%arg12 : memref<!tpu.dma_semaphore, #tpu.memory_space<semaphore_mem>>)
      %mul3A_105 = arith.constant 2 : i32
      %mul3A_106 = arith.muli %mul3A_105, %scan3A_59 : i32
      %add3A_107 = arith.constant 1 : i32
      %add3A_108 = arith.addi %mul3A_106, %add3A_107 : i32
      %dma_wait3A_109 = arith.constant 0 : i32
      %dma_wait3A_110 = arith.constant 0 : i32
      %dma_wait3A_111 = tpu.memref_slice %arg5[%dma_wait3A_109, %dma_wait3A_110] : memref<50x32xi32, #tpu.memory_space<vmem>> -> memref<1x16xi32, #tpu.memory_space<vmem>>
      %dma_wait3A_112 = tpu.memref_squeeze %dma_wait3A_111 : memref<1x16xi32, #tpu.memory_space<vmem>> -> memref<16xi32, #tpu.memory_space<vmem>>
      %dma_wait3A_113 = arith.constant 0 : i32
      %dma_wait3A_114 = arith.constant 0 : i32
      %dma_wait3A_115 = tpu.memref_slice %arg3[%dma_wait3A_113, %dma_wait3A_114] : memref<1000x1000xf32, #tpu.memory_space<hbm>> -> memref<1000x1000xf32, #tpu.memory_space<hbm>>
      tpu.wait_indirect_dma semaphore(%arg10 : memref<!tpu.dma_semaphore, #tpu.memory_space<semaphore_mem>>) src(%dma_wait3A_115 : memref<1000x1000xf32, #tpu.memory_space<hbm>>) dst(%arg6 : memref<16x1000xf32, #tpu.memory_space<vmem>>)
      %dma_start3A_116 = arith.constant 16 : i32
      %dma_start3A_117 = tpu.memref_slice %arg5[%add3A_108, %dma_start3A_116] : memref<50x32xi32, #tpu.memory_space<vmem>> -> memref<1x16xi32, #tpu.memory_space<vmem>>
      %dma_start3A_118 = tpu.memref_squeeze %dma_start3A_117 : memref<1x16xi32, #tpu.memory_space<vmem>> -> memref<16xi32, #tpu.memory_space<vmem>>
      %dma_start3A_119 = arith.constant 0 : i32
      %dma_start3A_120 = arith.constant 0 : i32
      %dma_start3A_121 = tpu.memref_slice %arg3[%dma_start3A_119, %dma_start3A_120] : memref<1000x1000xf32, #tpu.memory_space<hbm>> -> memref<1000x1000xf32, #tpu.memory_space<hbm>>
      tpu.enqueue_indirect_dma source(%dma_start3A_121 : memref<1000x1000xf32, #tpu.memory_space<hbm>>) target(%arg7 : memref<16x1000xf32, #tpu.memory_space<vmem>>) offsets(%dma_start3A_118 : memref<16xi32, #tpu.memory_space<vmem>>) semaphore(%arg11 : memref<!tpu.dma_semaphore, #tpu.memory_space<semaphore_mem>>)
      %gt3A_122 = arith.constant 0 : i32
      %gt3A_123 = arith.cmpi sgt, %scan3A_59, %gt3A_122 : i32
      %convert_element_type3A_124 = arith.extui %gt3A_123 : i1 to i32
      %cond3A_125 = arith.constant 0 : i32
      %cond3A_126 = arith.cmpi ne, %convert_element_type3A_124, %cond3A_125 : i32
      scf.if %cond3A_126 {
        %dma_wait3A_151 = arith.constant 0 : i32
        %dma_wait3A_152 = arith.constant 0 : i32
        %dma_wait3A_153 = tpu.memref_slice %arg4[%dma_wait3A_151, %dma_wait3A_152, %mul3A_20, %select_n3A_34] : memref<50x125x64x128xf32, #tpu.memory_space<hbm>> -> memref<1x125x8x32xf32, #tpu.memory_space<hbm>>
        %dma_wait3A_154 = tpu.memref_squeeze %dma_wait3A_153 : memref<1x125x8x32xf32, #tpu.memory_space<hbm>> -> memref<125x8x32xf32, #tpu.memory_space<hbm>>
        %dma_wait3A_155 = arith.constant 0 : i32
        %dma_wait3A_156 = tpu.memref_slice %arg4[%dma_wait3A_151, %dma_wait3A_155, %mul3A_20, %select_n3A_34] : memref<50x125x64x128xf32, #tpu.memory_space<hbm>> -> memref<1x125x8x32xf32, #tpu.memory_space<hbm>>
        %dma_wait3A_157 = tpu.memref_squeeze %dma_wait3A_156 : memref<1x125x8x32xf32, #tpu.memory_space<hbm>> -> memref<125x8x32xf32, #tpu.memory_space<hbm>>
        tpu.wait_dma2 semaphore(%arg13 : memref<!tpu.dma_semaphore, #tpu.memory_space<semaphore_mem>>) src(%arg9 : memref<125x8x32xf32, #tpu.memory_space<vmem>>) dst(%dma_wait3A_157 : memref<125x8x32xf32, #tpu.memory_space<hbm>>)
      } else {
      }
      %parallel_loop3A_127 = arith.constant 0 : i32
      %parallel_loop3A_128 = arith.constant 125 : i32
      %parallel_loop3A_129 = arith.constant 1 : i32
      scf.for %parallel_loop3A_151 = %parallel_loop3A_127 to %parallel_loop3A_128 step %parallel_loop3A_129  : i32 {
        %parallel_loop3A_152 = arith.constant 8 : i32
        %parallel_loop3A_153 = arith.muli %parallel_loop3A_151, %parallel_loop3A_152 : i32
        %parallel_loop3A_154 = vector.broadcast %parallel_loop3A_153 : i32 to vector<16xi32>
        %parallel_loop3A_155 = arith.constant 0 : i32
        %parallel_loop3A_156 = vector.broadcast %parallel_loop3A_155 : i32 to vector<16xi32>
        %parallel_loop3A_157 = arith.addi %parallel_loop3A_154, %parallel_loop3A_156 : vector<16xi32>
        %parallel_loop3A_158 = tpu.vector_load_idx %arg6[%iota3A, %parallel_loop3A_157] : memref<16x1000xf32, #tpu.memory_space<vmem>>[vector<16xi32>, vector<16xi32>], vector<16xf32>,
        %parallel_loop3A_159 = arith.constant 0 : i32
        %parallel_loop3A_160 = arith.index_cast %parallel_loop3A_151 : i32 to index
        %parallel_loop3A_161 = arith.index_cast %parallel_loop3A_159 : i32 to index
        %parallel_loop3A_162 = arith.constant 0 : index
        %parallel_loop3A_163 = tpu.vector_load %arg9[%parallel_loop3A_160, %parallel_loop3A_161, %parallel_loop3A_162] {strides = array<i32>} : memref<125x8x32xf32, #tpu.memory_space<vmem>>, vector<16xf32>,
        tpu.vector_store %arg9[%parallel_loop3A_160, %parallel_loop3A_161, %parallel_loop3A_162], %parallel_loop3A_158 {strides = array<i32>} : memref<125x8x32xf32, #tpu.memory_space<vmem>>, vector<16xf32>,
        %parallel_loop3A_164 = arith.constant 1 : i32
        %parallel_loop3A_165 = vector.broadcast %parallel_loop3A_164 : i32 to vector<16xi32>
        %parallel_loop3A_166 = arith.addi %parallel_loop3A_154, %parallel_loop3A_165 : vector<16xi32>
        %parallel_loop3A_167 = tpu.vector_load_idx %arg6[%iota3A, %parallel_loop3A_166] : memref<16x1000xf32, #tpu.memory_space<vmem>>[vector<16xi32>, vector<16xi32>], vector<16xf32>,
        %parallel_loop3A_168 = arith.constant 1 : i32
        %parallel_loop3A_169 = arith.index_cast %parallel_loop3A_151 : i32 to index
        %parallel_loop3A_170 = arith.index_cast %parallel_loop3A_168 : i32 to index
        %parallel_loop3A_171 = arith.constant 0 : index
        %parallel_loop3A_172 = tpu.vector_load %arg9[%parallel_loop3A_169, %parallel_loop3A_170, %parallel_loop3A_171] {strides = array<i32>} : memref<125x8x32xf32, #tpu.memory_space<vmem>>, vector<16xf32>,
        tpu.vector_store %arg9[%parallel_loop3A_169, %parallel_loop3A_170, %parallel_loop3A_171], %parallel_loop3A_167 {strides = array<i32>} : memref<125x8x32xf32, #tpu.memory_space<vmem>>, vector<16xf32>,
        %parallel_loop3A_173 = arith.constant 2 : i32
        %parallel_loop3A_174 = vector.broadcast %parallel_loop3A_173 : i32 to vector<16xi32>
        %parallel_loop3A_175 = arith.addi %parallel_loop3A_154, %parallel_loop3A_174 : vector<16xi32>
        %parallel_loop3A_176 = tpu.vector_load_idx %arg6[%iota3A, %parallel_loop3A_175] : memref<16x1000xf32, #tpu.memory_space<vmem>>[vector<16xi32>, vector<16xi32>], vector<16xf32>,
        %parallel_loop3A_177 = arith.constant 2 : i32
        %parallel_loop3A_178 = arith.index_cast %parallel_loop3A_151 : i32 to index
        %parallel_loop3A_179 = arith.index_cast %parallel_loop3A_177 : i32 to index
        %parallel_loop3A_180 = arith.constant 0 : index
        %parallel_loop3A_181 = tpu.vector_load %arg9[%parallel_loop3A_178, %parallel_loop3A_179, %parallel_loop3A_180] {strides = array<i32>} : memref<125x8x32xf32, #tpu.memory_space<vmem>>, vector<16xf32>,
        tpu.vector_store %arg9[%parallel_loop3A_178, %parallel_loop3A_179, %parallel_loop3A_180], %parallel_loop3A_176 {strides = array<i32>} : memref<125x8x32xf32, #tpu.memory_space<vmem>>, vector<16xf32>,
        %parallel_loop3A_182 = arith.constant 3 : i32
        %parallel_loop3A_183 = vector.broadcast %parallel_loop3A_182 : i32 to vector<16xi32>
        %parallel_loop3A_184 = arith.addi %parallel_loop3A_154, %parallel_loop3A_183 : vector<16xi32>
        %parallel_loop3A_185 = tpu.vector_load_idx %arg6[%iota3A, %parallel_loop3A_184] : memref<16x1000xf32, #tpu.memory_space<vmem>>[vector<16xi32>, vector<16xi32>], vector<16xf32>,
        %parallel_loop3A_186 = arith.constant 3 : i32
        %parallel_loop3A_187 = arith.index_cast %parallel_loop3A_151 : i32 to index
        %parallel_loop3A_188 = arith.index_cast %parallel_loop3A_186 : i32 to index
        %parallel_loop3A_189 = arith.constant 0 : index
        %parallel_loop3A_190 = tpu.vector_load %arg9[%parallel_loop3A_187, %parallel_loop3A_188, %parallel_loop3A_189] {strides = array<i32>} : memref<125x8x32xf32, #tpu.memory_space<vmem>>, vector<16xf32>,
        tpu.vector_store %arg9[%parallel_loop3A_187, %parallel_loop3A_188, %parallel_loop3A_189], %parallel_loop3A_185 {strides = array<i32>} : memref<125x8x32xf32, #tpu.memory_space<vmem>>, vector<16xf32>,
        %parallel_loop3A_191 = arith.constant 4 : i32
        %parallel_loop3A_192 = vector.broadcast %parallel_loop3A_191 : i32 to vector<16xi32>
        %parallel_loop3A_193 = arith.addi %parallel_loop3A_154, %parallel_loop3A_192 : vector<16xi32>
        %parallel_loop3A_194 = tpu.vector_load_idx %arg6[%iota3A, %parallel_loop3A_193] : memref<16x1000xf32, #tpu.memory_space<vmem>>[vector<16xi32>, vector<16xi32>], vector<16xf32>,
        %parallel_loop3A_195 = arith.constant 4 : i32
        %parallel_loop3A_196 = arith.index_cast %parallel_loop3A_151 : i32 to index
        %parallel_loop3A_197 = arith.index_cast %parallel_loop3A_195 : i32 to index
        %parallel_loop3A_198 = arith.constant 0 : index
        %parallel_loop3A_199 = tpu.vector_load %arg9[%parallel_loop3A_196, %parallel_loop3A_197, %parallel_loop3A_198] {strides = array<i32>} : memref<125x8x32xf32, #tpu.memory_space<vmem>>, vector<16xf32>,
        tpu.vector_store %arg9[%parallel_loop3A_196, %parallel_loop3A_197, %parallel_loop3A_198], %parallel_loop3A_194 {strides = array<i32>} : memref<125x8x32xf32, #tpu.memory_space<vmem>>, vector<16xf32>,
        %parallel_loop3A_200 = arith.constant 5 : i32
        %parallel_loop3A_201 = vector.broadcast %parallel_loop3A_200 : i32 to vector<16xi32>
        %parallel_loop3A_202 = arith.addi %parallel_loop3A_154, %parallel_loop3A_201 : vector<16xi32>
        %parallel_loop3A_203 = tpu.vector_load_idx %arg6[%iota3A, %parallel_loop3A_202] : memref<16x1000xf32, #tpu.memory_space<vmem>>[vector<16xi32>, vector<16xi32>], vector<16xf32>,
        %parallel_loop3A_204 = arith.constant 5 : i32
        %parallel_loop3A_205 = arith.index_cast %parallel_loop3A_151 : i32 to index
        %parallel_loop3A_206 = arith.index_cast %parallel_loop3A_204 : i32 to index
        %parallel_loop3A_207 = arith.constant 0 : index
        %parallel_loop3A_208 = tpu.vector_load %arg9[%parallel_loop3A_205, %parallel_loop3A_206, %parallel_loop3A_207] {strides = array<i32>} : memref<125x8x32xf32, #tpu.memory_space<vmem>>, vector<16xf32>,
        tpu.vector_store %arg9[%parallel_loop3A_205, %parallel_loop3A_206, %parallel_loop3A_207], %parallel_loop3A_203 {strides = array<i32>} : memref<125x8x32xf32, #tpu.memory_space<vmem>>, vector<16xf32>,
        %parallel_loop3A_209 = arith.constant 6 : i32
        %parallel_loop3A_210 = vector.broadcast %parallel_loop3A_209 : i32 to vector<16xi32>
        %parallel_loop3A_211 = arith.addi %parallel_loop3A_154, %parallel_loop3A_210 : vector<16xi32>
        %parallel_loop3A_212 = tpu.vector_load_idx %arg6[%iota3A, %parallel_loop3A_211] : memref<16x1000xf32, #tpu.memory_space<vmem>>[vector<16xi32>, vector<16xi32>], vector<16xf32>,
        %parallel_loop3A_213 = arith.constant 6 : i32
        %parallel_loop3A_214 = arith.index_cast %parallel_loop3A_151 : i32 to index
        %parallel_loop3A_215 = arith.index_cast %parallel_loop3A_213 : i32 to index
        %parallel_loop3A_216 = arith.constant 0 : index
        %parallel_loop3A_217 = tpu.vector_load %arg9[%parallel_loop3A_214, %parallel_loop3A_215, %parallel_loop3A_216] {strides = array<i32>} : memref<125x8x32xf32, #tpu.memory_space<vmem>>, vector<16xf32>,
        tpu.vector_store %arg9[%parallel_loop3A_214, %parallel_loop3A_215, %parallel_loop3A_216], %parallel_loop3A_212 {strides = array<i32>} : memref<125x8x32xf32, #tpu.memory_space<vmem>>, vector<16xf32>,
        %parallel_loop3A_218 = arith.constant 7 : i32
        %parallel_loop3A_219 = vector.broadcast %parallel_loop3A_218 : i32 to vector<16xi32>
        %parallel_loop3A_220 = arith.addi %parallel_loop3A_154, %parallel_loop3A_219 : vector<16xi32>
        %parallel_loop3A_221 = tpu.vector_load_idx %arg6[%iota3A, %parallel_loop3A_220] : memref<16x1000xf32, #tpu.memory_space<vmem>>[vector<16xi32>, vector<16xi32>], vector<16xf32>,
        %parallel_loop3A_222 = arith.constant 7 : i32
        %parallel_loop3A_223 = arith.index_cast %parallel_loop3A_151 : i32 to index
        %parallel_loop3A_224 = arith.index_cast %parallel_loop3A_222 : i32 to index
        %parallel_loop3A_225 = arith.constant 0 : index
        %parallel_loop3A_226 = tpu.vector_load %arg9[%parallel_loop3A_223, %parallel_loop3A_224, %parallel_loop3A_225] {strides = array<i32>} : memref<125x8x32xf32, #tpu.memory_space<vmem>>, vector<16xf32>,
        tpu.vector_store %arg9[%parallel_loop3A_223, %parallel_loop3A_224, %parallel_loop3A_225], %parallel_loop3A_221 {strides = array<i32>} : memref<125x8x32xf32, #tpu.memory_space<vmem>>, vector<16xf32>,
      } {sc.loop_unroll_factor = 1 : i64, sc.parallel_access}
      %dma_wait3A_130 = arith.constant 0 : i32
      %dma_wait3A_131 = arith.constant 0 : i32
      %dma_wait3A_132 = tpu.memref_slice %arg5[%dma_wait3A_130, %dma_wait3A_131] : memref<50x32xi32, #tpu.memory_space<vmem>> -> memref<1x16xi32, #tpu.memory_space<vmem>>
      %dma_wait3A_133 = tpu.memref_squeeze %dma_wait3A_132 : memref<1x16xi32, #tpu.memory_space<vmem>> -> memref<16xi32, #tpu.memory_space<vmem>>
      %dma_wait3A_134 = arith.constant 0 : i32
      %dma_wait3A_135 = arith.constant 0 : i32
      %dma_wait3A_136 = tpu.memref_slice %arg3[%dma_wait3A_134, %dma_wait3A_135] : memref<1000x1000xf32, #tpu.memory_space<hbm>> -> memref<1000x1000xf32, #tpu.memory_space<hbm>>
      tpu.wait_indirect_dma semaphore(%arg11 : memref<!tpu.dma_semaphore, #tpu.memory_space<semaphore_mem>>) src(%dma_wait3A_136 : memref<1000x1000xf32, #tpu.memory_space<hbm>>) dst(%arg7 : memref<16x1000xf32, #tpu.memory_space<vmem>>)
      %lt3A_137 = arith.constant 24 : i32
      %lt3A_138 = arith.cmpi slt, %scan3A_59, %lt3A_137 : i32
      %convert_element_type3A_139 = arith.extui %lt3A_138 : i1 to i32
      %cond3A_140 = arith.constant 0 : i32
      %cond3A_141 = arith.cmpi ne, %convert_element_type3A_139, %cond3A_140 : i32
      scf.if %cond3A_141 {
        %add3A_151 = arith.constant 1 : i32
        %add3A_152 = arith.addi %add3A_108, %add3A_151 : i32
        %dma_start3A_153 = arith.constant 0 : i32
        %dma_start3A_154 = tpu.memref_slice %arg5[%add3A_152, %dma_start3A_153] : memref<50x32xi32, #tpu.memory_space<vmem>> -> memref<1x16xi32, #tpu.memory_space<vmem>>
        %dma_start3A_155 = tpu.memref_squeeze %dma_start3A_154 : memref<1x16xi32, #tpu.memory_space<vmem>> -> memref<16xi32, #tpu.memory_space<vmem>>
        %dma_start3A_156 = arith.constant 0 : i32
        %dma_start3A_157 = arith.constant 0 : i32
        %dma_start3A_158 = tpu.memref_slice %arg3[%dma_start3A_156, %dma_start3A_157] : memref<1000x1000xf32, #tpu.memory_space<hbm>> -> memref<1000x1000xf32, #tpu.memory_space<hbm>>
        tpu.enqueue_indirect_dma source(%dma_start3A_158 : memref<1000x1000xf32, #tpu.memory_space<hbm>>) target(%arg6 : memref<16x1000xf32, #tpu.memory_space<vmem>>) offsets(%dma_start3A_155 : memref<16xi32, #tpu.memory_space<vmem>>) semaphore(%arg10 : memref<!tpu.dma_semaphore, #tpu.memory_space<semaphore_mem>>)
      } else {
      }
      %parallel_loop3A_142 = arith.constant 0 : i32
      %parallel_loop3A_143 = arith.constant 125 : i32
      %parallel_loop3A_144 = arith.constant 1 : i32
      scf.for %parallel_loop3A_151 = %parallel_loop3A_142 to %parallel_loop3A_143 step %parallel_loop3A_144  : i32 {
        %parallel_loop3A_152 = arith.constant 8 : i32
        %parallel_loop3A_153 = arith.muli %parallel_loop3A_151, %parallel_loop3A_152 : i32
        %parallel_loop3A_154 = vector.broadcast %parallel_loop3A_153 : i32 to vector<16xi32>
        %parallel_loop3A_155 = arith.constant 0 : i32
        %parallel_loop3A_156 = vector.broadcast %parallel_loop3A_155 : i32 to vector<16xi32>
        %parallel_loop3A_157 = arith.addi %parallel_loop3A_154, %parallel_loop3A_156 : vector<16xi32>
        %parallel_loop3A_158 = tpu.vector_load_idx %arg7[%iota3A, %parallel_loop3A_157] : memref<16x1000xf32, #tpu.memory_space<vmem>>[vector<16xi32>, vector<16xi32>], vector<16xf32>,
        %parallel_loop3A_159 = arith.constant 0 : i32
        %parallel_loop3A_160 = arith.index_cast %parallel_loop3A_151 : i32 to index
        %parallel_loop3A_161 = arith.index_cast %parallel_loop3A_159 : i32 to index
        %parallel_loop3A_162 = arith.constant 16 : index
        %parallel_loop3A_163 = tpu.vector_load %arg9[%parallel_loop3A_160, %parallel_loop3A_161, %parallel_loop3A_162] {strides = array<i32>} : memref<125x8x32xf32, #tpu.memory_space<vmem>>, vector<16xf32>,
        tpu.vector_store %arg9[%parallel_loop3A_160, %parallel_loop3A_161, %parallel_loop3A_162], %parallel_loop3A_158 {strides = array<i32>} : memref<125x8x32xf32, #tpu.memory_space<vmem>>, vector<16xf32>,
        %parallel_loop3A_164 = arith.constant 1 : i32
        %parallel_loop3A_165 = vector.broadcast %parallel_loop3A_164 : i32 to vector<16xi32>
        %parallel_loop3A_166 = arith.addi %parallel_loop3A_154, %parallel_loop3A_165 : vector<16xi32>
        %parallel_loop3A_167 = tpu.vector_load_idx %arg7[%iota3A, %parallel_loop3A_166] : memref<16x1000xf32, #tpu.memory_space<vmem>>[vector<16xi32>, vector<16xi32>], vector<16xf32>,
        %parallel_loop3A_168 = arith.constant 1 : i32
        %parallel_loop3A_169 = arith.index_cast %parallel_loop3A_151 : i32 to index
        %parallel_loop3A_170 = arith.index_cast %parallel_loop3A_168 : i32 to index
        %parallel_loop3A_171 = arith.constant 16 : index
        %parallel_loop3A_172 = tpu.vector_load %arg9[%parallel_loop3A_169, %parallel_loop3A_170, %parallel_loop3A_171] {strides = array<i32>} : memref<125x8x32xf32, #tpu.memory_space<vmem>>, vector<16xf32>,
        tpu.vector_store %arg9[%parallel_loop3A_169, %parallel_loop3A_170, %parallel_loop3A_171], %parallel_loop3A_167 {strides = array<i32>} : memref<125x8x32xf32, #tpu.memory_space<vmem>>, vector<16xf32>,
        %parallel_loop3A_173 = arith.constant 2 : i32
        %parallel_loop3A_174 = vector.broadcast %parallel_loop3A_173 : i32 to vector<16xi32>
        %parallel_loop3A_175 = arith.addi %parallel_loop3A_154, %parallel_loop3A_174 : vector<16xi32>
        %parallel_loop3A_176 = tpu.vector_load_idx %arg7[%iota3A, %parallel_loop3A_175] : memref<16x1000xf32, #tpu.memory_space<vmem>>[vector<16xi32>, vector<16xi32>], vector<16xf32>,
        %parallel_loop3A_177 = arith.constant 2 : i32
        %parallel_loop3A_178 = arith.index_cast %parallel_loop3A_151 : i32 to index
        %parallel_loop3A_179 = arith.index_cast %parallel_loop3A_177 : i32 to index
        %parallel_loop3A_180 = arith.constant 16 : index
        %parallel_loop3A_181 = tpu.vector_load %arg9[%parallel_loop3A_178, %parallel_loop3A_179, %parallel_loop3A_180] {strides = array<i32>} : memref<125x8x32xf32, #tpu.memory_space<vmem>>, vector<16xf32>,
        tpu.vector_store %arg9[%parallel_loop3A_178, %parallel_loop3A_179, %parallel_loop3A_180], %parallel_loop3A_176 {strides = array<i32>} : memref<125x8x32xf32, #tpu.memory_space<vmem>>, vector<16xf32>,
        %parallel_loop3A_182 = arith.constant 3 : i32
        %parallel_loop3A_183 = vector.broadcast %parallel_loop3A_182 : i32 to vector<16xi32>
        %parallel_loop3A_184 = arith.addi %parallel_loop3A_154, %parallel_loop3A_183 : vector<16xi32>
        %parallel_loop3A_185 = tpu.vector_load_idx %arg7[%iota3A, %parallel_loop3A_184] : memref<16x1000xf32, #tpu.memory_space<vmem>>[vector<16xi32>, vector<16xi32>], vector<16xf32>,
        %parallel_loop3A_186 = arith.constant 3 : i32
        %parallel_loop3A_187 = arith.index_cast %parallel_loop3A_151 : i32 to index
        %parallel_loop3A_188 = arith.index_cast %parallel_loop3A_186 : i32 to index
        %parallel_loop3A_189 = arith.constant 16 : index
        %parallel_loop3A_190 = tpu.vector_load %arg9[%parallel_loop3A_187, %parallel_loop3A_188, %parallel_loop3A_189] {strides = array<i32>} : memref<125x8x32xf32, #tpu.memory_space<vmem>>, vector<16xf32>,
        tpu.vector_store %arg9[%parallel_loop3A_187, %parallel_loop3A_188, %parallel_loop3A_189], %parallel_loop3A_185 {strides = array<i32>} : memref<125x8x32xf32, #tpu.memory_space<vmem>>, vector<16xf32>,
        %parallel_loop3A_191 = arith.constant 4 : i32
        %parallel_loop3A_192 = vector.broadcast %parallel_loop3A_191 : i32 to vector<16xi32>
        %parallel_loop3A_193 = arith.addi %parallel_loop3A_154, %parallel_loop3A_192 : vector<16xi32>
        %parallel_loop3A_194 = tpu.vector_load_idx %arg7[%iota3A, %parallel_loop3A_193] : memref<16x1000xf32, #tpu.memory_space<vmem>>[vector<16xi32>, vector<16xi32>], vector<16xf32>,
        %parallel_loop3A_195 = arith.constant 4 : i32
        %parallel_loop3A_196 = arith.index_cast %parallel_loop3A_151 : i32 to index
        %parallel_loop3A_197 = arith.index_cast %parallel_loop3A_195 : i32 to index
        %parallel_loop3A_198 = arith.constant 16 : index
        %parallel_loop3A_199 = tpu.vector_load %arg9[%parallel_loop3A_196, %parallel_loop3A_197, %parallel_loop3A_198] {strides = array<i32>} : memref<125x8x32xf32, #tpu.memory_space<vmem>>, vector<16xf32>,
        tpu.vector_store %arg9[%parallel_loop3A_196, %parallel_loop3A_197, %parallel_loop3A_198], %parallel_loop3A_194 {strides = array<i32>} : memref<125x8x32xf32, #tpu.memory_space<vmem>>, vector<16xf32>,
        %parallel_loop3A_200 = arith.constant 5 : i32
        %parallel_loop3A_201 = vector.broadcast %parallel_loop3A_200 : i32 to vector<16xi32>
        %parallel_loop3A_202 = arith.addi %parallel_loop3A_154, %parallel_loop3A_201 : vector<16xi32>
        %parallel_loop3A_203 = tpu.vector_load_idx %arg7[%iota3A, %parallel_loop3A_202] : memref<16x1000xf32, #tpu.memory_space<vmem>>[vector<16xi32>, vector<16xi32>], vector<16xf32>,
        %parallel_loop3A_204 = arith.constant 5 : i32
        %parallel_loop3A_205 = arith.index_cast %parallel_loop3A_151 : i32 to index
        %parallel_loop3A_206 = arith.index_cast %parallel_loop3A_204 : i32 to index
        %parallel_loop3A_207 = arith.constant 16 : index
        %parallel_loop3A_208 = tpu.vector_load %arg9[%parallel_loop3A_205, %parallel_loop3A_206, %parallel_loop3A_207] {strides = array<i32>} : memref<125x8x32xf32, #tpu.memory_space<vmem>>, vector<16xf32>,
        tpu.vector_store %arg9[%parallel_loop3A_205, %parallel_loop3A_206, %parallel_loop3A_207], %parallel_loop3A_203 {strides = array<i32>} : memref<125x8x32xf32, #tpu.memory_space<vmem>>, vector<16xf32>,
        %parallel_loop3A_209 = arith.constant 6 : i32
        %parallel_loop3A_210 = vector.broadcast %parallel_loop3A_209 : i32 to vector<16xi32>
        %parallel_loop3A_211 = arith.addi %parallel_loop3A_154, %parallel_loop3A_210 : vector<16xi32>
        %parallel_loop3A_212 = tpu.vector_load_idx %arg7[%iota3A, %parallel_loop3A_211] : memref<16x1000xf32, #tpu.memory_space<vmem>>[vector<16xi32>, vector<16xi32>], vector<16xf32>,
        %parallel_loop3A_213 = arith.constant 6 : i32
        %parallel_loop3A_214 = arith.index_cast %parallel_loop3A_151 : i32 to index
        %parallel_loop3A_215 = arith.index_cast %parallel_loop3A_213 : i32 to index
        %parallel_loop3A_216 = arith.constant 16 : index
        %parallel_loop3A_217 = tpu.vector_load %arg9[%parallel_loop3A_214, %parallel_loop3A_215, %parallel_loop3A_216] {strides = array<i32>} : memref<125x8x32xf32, #tpu.memory_space<vmem>>, vector<16xf32>,
        tpu.vector_store %arg9[%parallel_loop3A_214, %parallel_loop3A_215, %parallel_loop3A_216], %parallel_loop3A_212 {strides = array<i32>} : memref<125x8x32xf32, #tpu.memory_space<vmem>>, vector<16xf32>,
        %parallel_loop3A_218 = arith.constant 7 : i32
        %parallel_loop3A_219 = vector.broadcast %parallel_loop3A_218 : i32 to vector<16xi32>
        %parallel_loop3A_220 = arith.addi %parallel_loop3A_154, %parallel_loop3A_219 : vector<16xi32>
        %parallel_loop3A_221 = tpu.vector_load_idx %arg7[%iota3A, %parallel_loop3A_220] : memref<16x1000xf32, #tpu.memory_space<vmem>>[vector<16xi32>, vector<16xi32>], vector<16xf32>,
        %parallel_loop3A_222 = arith.constant 7 : i32
        %parallel_loop3A_223 = arith.index_cast %parallel_loop3A_151 : i32 to index
        %parallel_loop3A_224 = arith.index_cast %parallel_loop3A_222 : i32 to index
        %parallel_loop3A_225 = arith.constant 16 : index
        %parallel_loop3A_226 = tpu.vector_load %arg9[%parallel_loop3A_223, %parallel_loop3A_224, %parallel_loop3A_225] {strides = array<i32>} : memref<125x8x32xf32, #tpu.memory_space<vmem>>, vector<16xf32>,
        tpu.vector_store %arg9[%parallel_loop3A_223, %parallel_loop3A_224, %parallel_loop3A_225], %parallel_loop3A_221 {strides = array<i32>} : memref<125x8x32xf32, #tpu.memory_space<vmem>>, vector<16xf32>,
      } {sc.loop_unroll_factor = 1 : i64, sc.parallel_access}
      %dma_start3A_145 = arith.constant 0 : i32
      %dma_start3A_146 = tpu.memref_slice %arg4[%add3A_108, %dma_start3A_145, %mul3A_20, %select_n3A_34] : memref<50x125x64x128xf32, #tpu.memory_space<hbm>> -> memref<1x125x8x32xf32, #tpu.memory_space<hbm>>
      %dma_start3A_147 = tpu.memref_squeeze %dma_start3A_146 : memref<1x125x8x32xf32, #tpu.memory_space<hbm>> -> memref<125x8x32xf32, #tpu.memory_space<hbm>>
      %dma_start3A_148 = arith.constant 0 : i32
      %dma_start3A_149 = tpu.memref_slice %arg4[%add3A_108, %dma_start3A_148, %mul3A_20, %select_n3A_34] : memref<50x125x64x128xf32, #tpu.memory_space<hbm>> -> memref<1x125x8x32xf32, #tpu.memory_space<hbm>>
      %dma_start3A_150 = tpu.memref_squeeze %dma_start3A_149 : memref<1x125x8x32xf32, #tpu.memory_space<hbm>> -> memref<125x8x32xf32, #tpu.memory_space<hbm>>
      tpu.enqueue_dma source(%arg9 : memref<125x8x32xf32, #tpu.memory_space<vmem>>) target(%dma_start3A_150 : memref<125x8x32xf32, #tpu.memory_space<hbm>>) target_semaphore(%arg13 : memref<!tpu.dma_semaphore, #tpu.memory_space<semaphore_mem>>)
    }
    %scan3A_45 = arith.constant 25 : i32
    %dma_wait3A = arith.constant 0 : i32
    %dma_wait3A_46 = arith.constant 0 : i32
    %dma_wait3A_47 = tpu.memref_slice %arg4[%dma_wait3A, %dma_wait3A_46, %mul3A_20, %select_n3A_34] : memref<50x125x64x128xf32, #tpu.memory_space<hbm>> -> memref<1x125x8x32xf32, #tpu.memory_space<hbm>>
    %dma_wait3A_48 = tpu.memref_squeeze %dma_wait3A_47 : memref<1x125x8x32xf32, #tpu.memory_space<hbm>> -> memref<125x8x32xf32, #tpu.memory_space<hbm>>
    %dma_wait3A_49 = arith.constant 0 : i32
    %dma_wait3A_50 = tpu.memref_slice %arg4[%dma_wait3A, %dma_wait3A_49, %mul3A_20, %select_n3A_34] : memref<50x125x64x128xf32, #tpu.memory_space<hbm>> -> memref<1x125x8x32xf32, #tpu.memory_space<hbm>>
    %dma_wait3A_51 = tpu.memref_squeeze %dma_wait3A_50 : memref<1x125x8x32xf32, #tpu.memory_space<hbm>> -> memref<125x8x32xf32, #tpu.memory_space<hbm>>
    tpu.wait_dma2 semaphore(%arg12 : memref<!tpu.dma_semaphore, #tpu.memory_space<semaphore_mem>>) src(%arg8 : memref<125x8x32xf32, #tpu.memory_space<vmem>>) dst(%dma_wait3A_51 : memref<125x8x32xf32, #tpu.memory_space<hbm>>)
    %dma_wait3A_52 = arith.constant 0 : i32
    %dma_wait3A_53 = arith.constant 0 : i32
    %dma_wait3A_54 = tpu.memref_slice %arg4[%dma_wait3A_52, %dma_wait3A_53, %mul3A_20, %select_n3A_34] : memref<50x125x64x128xf32, #tpu.memory_space<hbm>> -> memref<1x125x8x32xf32, #tpu.memory_space<hbm>>
    %dma_wait3A_55 = tpu.memref_squeeze %dma_wait3A_54 : memref<1x125x8x32xf32, #tpu.memory_space<hbm>> -> memref<125x8x32xf32, #tpu.memory_space<hbm>>
    %dma_wait3A_56 = arith.constant 0 : i32
    %dma_wait3A_57 = tpu.memref_slice %arg4[%dma_wait3A_52, %dma_wait3A_56, %mul3A_20, %select_n3A_34] : memref<50x125x64x128xf32, #tpu.memory_space<hbm>> -> memref<1x125x8x32xf32, #tpu.memory_space<hbm>>
    %dma_wait3A_58 = tpu.memref_squeeze %dma_wait3A_57 : memref<1x125x8x32xf32, #tpu.memory_space<hbm>> -> memref<125x8x32xf32, #tpu.memory_space<hbm>>
    tpu.wait_dma2 semaphore(%arg13 : memref<!tpu.dma_semaphore, #tpu.memory_space<semaphore_mem>>) src(%arg9 : memref<125x8x32xf32, #tpu.memory_space<vmem>>) dst(%dma_wait3A_58 : memref<125x8x32xf32, #tpu.memory_space<hbm>>)
    return
  }
}

</mosaic_0001>

<sc_bundles>
// kernel: kernel.3.cloned.1.call-start
scs
__scs_entry_jumppad:
0x0: {  	(pc) =	sbr.rel $0x88, $3  }
0x1: {  	(tag) =	ssettag $0x0;
	lr =	simm.s32 $0x1  }
0x2: {  	[smem:$0x3F9F] =	sst lr;
	_ =	strace $0xD0000000  }
0x3: {  	_ = 	snop  }
0x4: {  	_ = 	snop  }
0x5: {  	_ = 	snop  }
0x6: {  	_ = 	snop  }
0x7: {  	_ = 	snop  }
__scs_overlays_trampoline_lowered:
0x8: {  	[smem:$0x3FAE] =	sst s0  }
0x9: {  	[smem:$0x3FAF] =	sst s1  }
0xa: {  	[smem:$0x3FB0] =	sst s2  }
0xb: {  	[smem:$0x3FB1] =	sst s3  }
0xc: {  	[smem:$0x3FB2] =	sst s4  }
0xd: {  	[smem:$0x3FB3] =	sst s5  }
0xe: {  	[smem:$0x3FB4] =	sst s6  }
0xf: {  	[smem:$0x3FB5] =	sst s7  }
0x10: {  	[smem:$0x3FB6] =	sst s8  }
0x11: {  	[smem:$0x3FB7] =	sst s9;
	s0 =	simm.s32 @!p0 $0x0  }
0x12: {  	s1 =	sld [smem:$0x3F9D];
	s0 =	simm.s32 @p0 $0x1  }
0x13: {  	[smem:$0x3FB8] =	sst s0;
	s0 =	simm.s32 @!p1 $0x0  }
0x14: {  	s2 =	sld [smem:$0x3F9C];
	s0 =	simm.s32 @p1 $0x1  }
0x15: {  	[smem:$0x3FB9] =	sst s0;
	s0 =	simm.s32 @!p2 $0x0  }
0x16: {  	s3 =	sld [smem:$0x3FDB];
	s0 =	simm.s32 @p2 $0x1  }
0x17: {  	s4 =	simm.s32 $0x1BF5;
	[smem:$0x3FBB] =	sst s0  }
0x18: {  	s0 =	sld [smem:$0x3F9E];
	_ =	swait.ge [sflag:s4], $0x0  }
0x19: {  	s7 =	sld [smem:$0x3F9F]  }
0x1a: {  	s8 =	sadd.s32 $0xFFFFE003, lr  }
0x1b: {  	s9 =	sadd.s32 $0xFFFFFEF7, lr;
	s5 =	simm.s32 $0xFFFFFFFF;
	p2 =	slt.u32 s8, $0xFFFFF086  }
0x1c: {  	p1 =	slt.u32 s9, $0xF7A;
	s5 =	simm.s32 @!p2 $0x0  }
0x1d: {  	s5 =	simm.s32 @p1 $0x1;
	p0 =	seq.s32 s7, s2  }
0x1e: {  	s7 =	smul.u32 @!p0 $0xF7A, s2;
	p2 =	seq.s32 @!p0 s5, $0x0  }
0x1f: {  	s9 =	smul.u32 $0xF7A, s1;
	s8 =	simm.s32 @!p0 $0x1BF5;
	p2 =	por !p2, p0  }
0x20: {  	[sflag:s8] =	ssyncset.s32 @!p0 $0xFFFFF086;
	s6 =	sadd.s32 @!p0 s3, s7;
	s7 =	simm.s32 @!p0 $0x108  }
0x21: {  	s3 =	sadd.s32 s3, s9;
	s6 =	sadd.s32 @!p0 $0x88, s6;
	s7 =	simm.s32 @p2 $0x1082  }
0x22: {  	[simem:s7], [sflag:s8] =	dma.local @!p0 [hbm:s6], $0xF7A  }
0x23: {  	s9 =	sor.u32 $0xD0000000, s2;
	s6 =	simm.s32 $0x108;
	_ =	swait.ge @!p0 [sflag:s8], $0x0  }
0x24: {  	s3 =	sadd.s32 $0x88, s3;
	s6 =	simm.s32 @!p1 $0x1082;
	[sflag:s4] =	ssyncset.s32 $0xFFFFF086  }
0x25: {  	[simem:s6], [sflag:s4] =	dma.local [hbm:s3], $0xF7A  }
0x26: {  	[smem:$0x3F9F] =	sst s1;
	(tag) =	ssettag s2;
	_ =	strace s9  }
0x27: {  	s1 =	sld [smem:$0x3FAF]  }
0x28: {  	s2 =	sld [smem:$0x3FB0]  }
0x29: {  	s4 =	sld [smem:$0x3FB2]  }
0x2a: {  	p0 =	seq.s32 s5, $0x0;
	s5 =	sld [smem:$0x3FB3]  }
0x2b: {  	s6 =	sld [smem:$0x3FB4]  }
0x2c: {  	s7 =	sld [smem:$0x3FB5]  }
0x2d: {  	s3 =	simm.s32 $0x108;
	s8 =	sld [smem:$0x3FB6]  }
0x2e: {  	s3 =	simm.s32 @!p0 $0x1082;
	s9 =	sld [smem:$0x3FB7]  }
0x2f: {  	lr =	sadd.s32 s0, s3;
	s0 =	sld [smem:$0x3FAE]  }
0x30: {  	s3 =	sld [smem:$0x3FB1]  }
0x31: {  	[smem:$0x3FBA] =	sst s10  }
0x32: {  	s10 =	sld [smem:$0x3FB8];
	_ =	sdelay $0x3  }
0x33: {  	p0 =	seq.s32 s10, $0x1;
	s10 =	sld [smem:$0x3FBA];
	_ =	sdelay $0x3  }
0x34: {  	[smem:$0x3FBA] =	sst s10  }
0x35: {  	s10 =	sld [smem:$0x3FB9];
	_ =	sdelay $0x3  }
0x36: {  	p1 =	seq.s32 s10, $0x1;
	s10 =	sld [smem:$0x3FBA];
	_ =	sdelay $0x3  }
0x37: {  	[smem:$0x3FBA] =	sst s10  }
0x38: {  	s10 =	sld [smem:$0x3FBB]  }
0x39: {  	_ = 	snop;
	(pc) =	sbr.ind lr, $3  }
0x3a: {  	_ = 	snop  }
0x3b: {  	_ = 	snop  }
0x3c: {  	p2 =	seq.s32 s10, $0x1;
	s10 =	sld [smem:$0x3FBA]  }
0x3d: {  	_ =	shalt  }
0x3e: {  	_ =	shalt  }
0x3f: {  	_ =	shalt  }
0x40: {  	_ =	shalt  }
0x41: {  	_ =	shalt  }
0x42: {  	_ =	shalt  }
0x43: {  	_ =	shalt  }
0x44: {  	_ =	shalt  }
0x45: {  	_ =	shalt  }
0x46: {  	_ =	shalt  }
0x47: {  	_ =	shalt  }
0x48: {  	_ =	shalt  }
0x49: {  	_ =	shalt  }
0x4a: {  	_ =	shalt  }
0x4b: {  	_ =	shalt  }
0x4c: {  	_ =	shalt  }
0x4d: {  	_ =	shalt  }
0x4e: {  	_ =	shalt  }
0x4f: {  	_ =	shalt  }
0x50: {  	_ =	shalt  }
0x51: {  	_ =	shalt  }
0x52: {  	_ =	shalt  }
0x53: {  	_ =	shalt  }
0x54: {  	_ =	shalt  }
0x55: {  	_ =	shalt  }
0x56: {  	_ =	shalt  }
0x57: {  	_ =	shalt  }
0x58: {  	_ =	shalt  }
0x59: {  	_ =	shalt  }
0x5a: {  	_ =	shalt  }
0x5b: {  	_ =	shalt  }
0x5c: {  	_ =	shalt  }
0x5d: {  	_ =	shalt  }
0x5e: {  	_ =	shalt  }
0x5f: {  	_ =	shalt  }
0x60: {  	_ =	shalt  }
0x61: {  	_ =	shalt  }
0x62: {  	_ =	shalt  }
0x63: {  	_ =	shalt  }
0x64: {  	_ =	shalt  }
0x65: {  	_ =	shalt  }
0x66: {  	_ =	shalt  }
0x67: {  	_ =	shalt  }
0x68: {  	_ =	shalt  }
0x69: {  	_ =	shalt  }
0x6a: {  	_ =	shalt  }
0x6b: {  	_ =	shalt  }
0x6c: {  	_ =	shalt  }
0x6d: {  	_ =	shalt  }
0x6e: {  	_ =	shalt  }
0x6f: {  	_ =	shalt  }
0x70: {  	_ =	shalt  }
0x71: {  	_ =	shalt  }
0x72: {  	_ =	shalt  }
0x73: {  	_ =	shalt  }
0x74: {  	_ =	shalt  }
0x75: {  	_ =	shalt  }
0x76: {  	_ =	shalt  }
0x77: {  	_ =	shalt  }
0x78: {  	_ =	shalt  }
0x79: {  	_ =	shalt  }
0x7a: {  	_ =	shalt  }
0x7b: {  	_ =	shalt  }
0x7c: {  	_ =	shalt  }
0x7d: {  	_ =	shalt  }
0x7e: {  	_ =	shalt  }
0x7f: {  	_ =	shalt  }
0x80: {  	_ =	shalt  }
0x81: {  	_ =	shalt  }
0x82: {  	_ =	shalt  }
0x83: {  	_ =	shalt  }
0x84: {  	_ =	shalt  }
0x85: {  	_ =	shalt  }
0x86: {  	_ =	shalt  }
0x87: {  	_ =	shalt  }
.Lfunc_end0:
.L_simem_size_0:
called_computation_lowered:
.L_overlay_start_0:
0x88: {  	s2 =	sld [smem:$0x3FD9]  }
0x89: {  	s3 =	sld [smem:$0x3FFE];
	_ =	sdelay $0x1  }
0x8a: {  	s1 =	srdreg.scid  }
0x8b: {  	s0 =	sand.u32 $0x1, s1  }
0x8c: {  	s17 =	sshll.u32 s0, $0xA;
	s2 =	sadd.s32 s3, s2  }
0x8d: {  	s2 =	sadd.s32 s2, s17  }
0x8e: {  	[smem:$0x3FC6] =	sst s2  }
0x8f: {  	_ = 	snop  }
0x90: {  	s2 =	sld [smem:$0x3FD0];
	(tm) =	ssettm $0x1  }
0x91: {  	s18 =	sld [smem:$0x3FFB];
	_ =	sdelay $0x3  }
0x92: {  	_ =	strace s18  }
0x93: {  	s3 =	sld [smem:$0x3FFC];
	_ =	sdelay $0x3  }
0x94: {  	_ =	strace s3  }
0x95: {  	s3 =	sld [smem:$0x3FFD];
	_ =	sdelay $0x3  }
0x96: {  	_ =	strace s3  }
0x97: {  	_ =	strace $0x8FFFFFFF  }
0x98: {  	s19 =	sld [smem:$0x3FDB];
	_ =	sdelay $0x1  }
0x99: {  	s4 =	simm.s32 $_scs_section_size  }
0x9a: {  	s5 =	simm.s32 $_size__tile_overlayer_lowered;
	s6 =	simm.s32 $_tile_overlayer_lowered  }
0x9b: {  	s22 =	simm.s32 $0x1BFF;
	s21 =	sshll.u32 s6, $0x1;
	s3 =	sadd.s32 s4, s19  }
0x9c: {  	s7 =	simm.s32 $0x0;
	s20 =	sshll.u32 s5, $0x1;
	s5 =	sadd.s32 s21, s3  }
0x9d: {  	[timem:s7], [sflag:s22] =	dma.local [hbm:s5], s20  }
0x9e: {  	_ =	swait.ge [sflag:s22], s20  }
0x9f: {  	s4 =	ssub.s32 $0x0, s20;
	[sflag:s22] =	ssyncset.done $0x0  }
0xa0: {  	[sflag:s22] =	ssyncadd.s32 s4;
	_ =	sdelay $0x1  }
0xa1: {  	s23 =	simm.s32 $0x1B8B  }
0xa2: {  	_ =	swait.ge [sflag:s23], $0x1  }
0xa3: {  	[sflag:s23] =	ssyncset.done $0x0  }
0xa4: {  	s25 =	simm.s32 $0x1B8E;
	s24 =	sld [smem:$0x3FFE];
	[sflag:s23] =	ssyncadd.s32 $0xFFFFFFFF  }
0xa5: {  	s26 =	simm.s32 $execute0_lowered;
	[smem:$0x3FD2] =	sst s25  }
0xa6: {  	s5 =	sshll.u32 s26, $0x1;
	_ =	strace $0x80000046;
	[dreg:$0x1] =	wrdreg $0xFFFFFFFF  }
0xa7: {  	s28 =	simm.s32 $_size_execute0_lowered;
	s3 =	sadd.s32 s3, s5;
	[dreg:$0x0] =	wrdreg $0x0  }
0xa8: {  	s5 =	sshll.u32 s28, $0x1;
	[dreg:$0x2] =	wrdreg s3  }
0xa9: {  	[dreg:$0x3] =	wrdreg s5  }
0xaa: {  	[dreg:$0x4] =	wrdreg $0xC0  }
0xab: {  	_ =	task [dreg:s7], $0x5FFFF  }
0xac: {  	[dreg:$0x1] =	wrdreg $0xFFFFFFFF  }
0xad: {  	[dreg:$0x0] =	wrdreg $0x60  }
0xae: {  	[dreg:$0x2] =	wrdreg s24  }
0xaf: {  	[dreg:$0x3] =	wrdreg s2  }
0xb0: {  	[dreg:$0x4] =	wrdreg $0x9  }
0xb1: {  	_ =	task.clear_ibuf [dreg:s7], $0x5FFFF;
	_ =	strace $0x90000046  }
0xb2: {  	s29 =	simm.s32 $0x9;
	_ =	strace $0x80000048  }
0xb3: {  	_ =	swait.ge [sflag:s29], $0x1  }
0xb4: {  	[sflag:s29] =	ssyncadd.s32 $0xFFFFFFFF  }
0xb5: {  	_ =	strace $0x90000048  }
0xb6: {  	_ =	sfence  }
0xb7: {  	s30 =	sld [smem:$0x0];
	_ =	sdelay $0x2  }
0xb8: {  	s31 =	sshll.u32 s1, $0xD;
	s1 =	sshrl.u32 s1, $0x2  }
0xb9: {  	s3 =	sand.u32 $0x4000, s31;
	s1 =	sadd.s32 s1, s30  }
0xba: {  	s0 =	sor.u32 s3, s0;
	s1 =	sshll.u32 s1, $0x11  }
0xbb: {  	s0 =	sor.u32 s1, s0  }
0xbc: {  	s0 =	sadd.s32 $0x8F2B, s0  }
0xbd: {  	[sflag:s0] =	ssyncadd.remote.s32 $0x1  }
0xbe: {  	_ =	sfence.sel $0xFFFF  }
0xbf: {  	[dreg:$0x0] =	wrdreg $0xFFFFFFFF;
	(pc) =	sbr.abs _section_cstart, $3  }
0xc0: {  	[dreg:$0x1] =	wrdreg $0xFFFFFFFF  }
0xc1: {  	_ =	task.clear_ibuf [dreg:s7], $0x2FFFF;
	_ =	strace $0x9FFFFFFF  }
0xc2: {  	(tm) =	ssettm $0x7FFFFFFF  }
0xc3: {  	_ =	shalt  }
tec
execute0_lowered:
.L_overlay_start_1:
0x0: {  	(tag) =	ssettag $0x1  }
0x1: {  	s0 =	rddreg [dreg:$0x0]  }
0x2: {  	s2 =	rddreg [dreg:$0x1];
	s1 =	srdreg.scid  }
0x3: {  	s7 =	stileid.u32;
	s5 =	simm.s32 $0x0;
	s8 =	simm.s32 $0x20  }
0x4: {  	s11 =	simm.s32 $0x10;
	s12 =	simm.s32 $0x640;
	s13 =	simm.s32 $0x1  }
0x5: {  	s14 =	simm.s32 $0x44C0;
	s15 =	simm.s32 $0x2;
	s16 =	simm.s32 $0x80  }
0x6: {  	s18 =	simm.s32 $0x4;
	s1 =	sand.u32 $0x1, s1;
	s3 =	sshll.u32 s7, $0x6  }
0x7: {  	v0 =	vlaneseq.u32;
	[smem:$0x7FF] =	sst s5;
	s4 =	sshll.u32 s1, $0x5;
	s1 =	ssub.s32 $0x2, s1  }
0x8: {  	s7 =	sshll.u32 s7, $0x9;
	v0 =	vmul.u32 $0x3E8, v0;
	s3 =	sor.u32 s4, s3;
	s6 =	sshrl.u32 s1, $0x1  }
0x9: {  	_ =	strace $0x80000047;
	s4 =	sshrl.u32 s3, $0x3;
	s29 =	ssub.s32 s1, s6  }
0xa: {  	v1 =	vor.u32 $0x1, v0;
	s28 =	sadd.s32 s4, s0;
	s4 =	sadd.s32 $0x1E00, s0;
	s0 =	smax.u32 s29, $0x1  }
0xb: {  	v2 =	vor.u32 $0x2, v0;
	v3 =	vor.u32 $0x3, v0;
	v4 =	vor.u32 $0x4, v0;
	s30 =	sor.u32 s3, s7;
	s31 =	sadd.s32 $0x400, s28;
	[dreg:$0x4] =	wrdreg s0  }
0xc: {  	s19 =	simm.s32 $0x0;
	v5 =	vor.u32 $0x5, v0;
	v6 =	vor.u32 $0x6, v0;
	v7 =	vor.u32 $0x7, v0;
	s7 =	sand.u32 $0x1C60, s30;
	[dreg:$0x3] =	wrdreg s31  }
.LBB2_1:
0xd: {  	s0 =	simm.s32 $0x0  }
0xe: {  	s1 =	rddreg [dreg:$0x3];
	s3 =	simm.s32 $0x400;
	s31 =	simm.s32 $0x5  }
0xf: {  	[tilespmem:s0], [sflag:$0x5] =	stream.strided.gather [hbm4b:s1+s8], $0x640, s3, s8, $0x38;
	[tilespmem:$0x17D40] =	vst v63  }
0x10: {  	_ =	swait.ge [sflag:s31], $0x640  }
0x11: {  	[sflag:s31] =	ssyncset.done $0x0  }
0x12: {  	s20 =	simm.s32 $0x0;
	[sflag:s31] =	ssyncadd.s32 $0xFFFFF9C0  }
0x13: {  	[tilespmem:s12], [sflag:$0x1] =	stream.indirect.gather [hbm4b:s4+s11], $0x3E8, s0, s11, $0xb8;
	[tilespmem:$0x17D40] =	vst v63  }
.LBB2_2:
0x14: {  	_ =	swait.ge [sflag:s13], $0x3E80;
	s0 =	sshll.u32 s20, $0x6  }
0x15: {  	s1 =	simm.s32 $0x0;
	[sflag:s13] =	ssyncset.done $0x0;
	s21 =	sand.u32 $0x3FFFFFC0, s0  }
0x16: {  	p0 =	seq.s32 s20, $0x0;
	[sflag:s13] =	ssyncadd.s32 $0xFFFFC180;
	s0 =	sor.u32 $0x10, s21  }
0x17: {  	v8 =	vadd.s32 s1, v0;
	[tilespmem:s14], [sflag:$0x2] =	stream.indirect.gather [hbm4b:s4+s11], $0x3E8, s0, s11, $0xb8;
	[tilespmem:$0x17D40] =	vst v63  }
0x18: {  	s0 =	simm.s32 @!p0 $0x3  }
0x19: {  	_ =	swait.ge @!p0 [sflag:s0], $0x7D00  }
0x1a: {  	[sflag:s0] =	ssyncset.done @!p0 $0x0  }
0x1b: {  	[sflag:s0] =	ssyncadd.s32 @!p0 $0xFFFF8300  }
0x1c: {  	v8 =	vld.idx.msk [tilespmem:v8+s12+$0x0], $0xffff  }
0x1d: {  	s30 =	simm.s32 $0x8;
	v9 =	vadd.s32 s1, v1  }
0x1e: {  	v10 =	vadd.s32 s30, v0;
	_ =	sdelay $0x1  }
0x1f: {  	s0 =	simm.s32 $0x83C0  }
0x20: {  	[tilespmem:s0+$0xFFFFFF80] =	vst v8  }
0x21: {  	v8 =	vld.idx.msk [tilespmem:v9+s12+$0x0], $0xffff  }
0x22: {  	v9 =	vld.idx.msk [tilespmem:v10+s12+$0x0], $0xffff;
	v10 =	vadd.s32 s1, v2  }
0x23: {  	s23 =	simm.s32 $0x10;
	v11 =	vadd.s32 s30, v1  }
0x24: {  	v12 =	vadd.s32 s23, v0;
	_ =	sdelay $0x1  }
0x25: {  	s25 =	simm.s32 $0x84C0;
	[tilespmem:s0+$0xFFFFFFA0] =	vst v8  }
0x26: {  	[tilespmem:s25+$0xFFFFFF80] =	vst v9;
	v8 =	vld.idx.msk [tilespmem:v10+s12+$0x0], $0xffff  }
0x27: {  	v9 =	vld.idx.msk [tilespmem:v11+s12+$0x0], $0xffff;
	v10 =	vadd.s32 s1, v3  }
0x28: {  	v11 =	vld.idx.msk [tilespmem:v12+s12+$0x0], $0xffff;
	v12 =	vadd.s32 s30, v2  }
0x29: {  	s26 =	simm.s32 $0x18;
	v13 =	vadd.s32 s23, v1  }
0x2a: {  	v14 =	vadd.s32 s26, v0  }
0x2b: {  	[tilespmem:s0+$0xFFFFFFC0] =	vst v8  }
0x2c: {  	s22 =	simm.s32 $0x85C0;
	[tilespmem:s25+$0xFFFFFFA0] =	vst v9;
	v8 =	vld.idx.msk [tilespmem:v10+s12+$0x0], $0xffff  }
0x2d: {  	[tilespmem:s22+$0xFFFFFF80] =	vst v11;
	v9 =	vld.idx.msk [tilespmem:v12+s12+$0x0], $0xffff;
	v10 =	vadd.s32 s1, v4  }
0x2e: {  	v11 =	vld.idx.msk [tilespmem:v13+s12+$0x0], $0xffff;
	v12 =	vadd.s32 s30, v3  }
0x2f: {  	v13 =	vld.idx.msk [tilespmem:v14+s12+$0x0], $0xffff;
	v14 =	vadd.s32 s23, v2  }
0x30: {  	s28 =	simm.s32 $0x20;
	v15 =	vadd.s32 s26, v1  }
0x31: {  	v16 =	vadd.s32 s28, v0;
	[tilespmem:s0+$0xFFFFFFE0] =	vst v8  }
0x32: {  	[tilespmem:s25+$0xFFFFFFC0] =	vst v9;
	v8 =	vld.idx.msk [tilespmem:v10+s12+$0x0], $0xffff  }
0x33: {  	s24 =	simm.s32 $0x86C0;
	[tilespmem:s22+$0xFFFFFFA0] =	vst v11;
	v9 =	vld.idx.msk [tilespmem:v12+s12+$0x0], $0xffff;
	v10 =	vadd.s32 s1, v5  }
0x34: {  	[tilespmem:s24+$0xFFFFFF80] =	vst v13;
	v11 =	vld.idx.msk [tilespmem:v14+s12+$0x0], $0xffff;
	v12 =	vadd.s32 s30, v4  }
0x35: {  	v13 =	vld.idx.msk [tilespmem:v15+s12+$0x0], $0xffff;
	v14 =	vadd.s32 s23, v3  }
0x36: {  	v15 =	vld.idx.msk [tilespmem:v16+s12+$0x0], $0xffff;
	v16 =	vadd.s32 s26, v2  }
0x37: {  	[tilespmem:s0+$0x0] =	vst v8  }
0x38: {  	s31 =	simm.s32 $0x28;
	v17 =	vadd.s32 s28, v1;
	[tilespmem:s25+$0xFFFFFFE0] =	vst v9;
	v9 =	vld.idx.msk [tilespmem:v10+s12+$0x0], $0xffff  }
0x39: {  	v8 =	vadd.s32 s31, v0;
	[tilespmem:s22+$0xFFFFFFC0] =	vst v11;
	v10 =	vld.idx.msk [tilespmem:v12+s12+$0x0], $0xffff  }
0x3a: {  	v11 =	vadd.s32 s1, v6;
	[tilespmem:s24+$0xFFFFFFA0] =	vst v13;
	v12 =	vld.idx.msk [tilespmem:v14+s12+$0x0], $0xffff  }
0x3b: {  	s29 =	simm.s32 $0x87C0;
	v13 =	vadd.s32 s30, v5;
	v14 =	vld.idx.msk [tilespmem:v16+s12+$0x0], $0xffff  }
0x3c: {  	[tilespmem:s29+$0xFFFFFF80] =	vst v15;
	v15 =	vadd.s32 s23, v4  }
0x3d: {  	v16 =	vld.idx.msk [tilespmem:v17+s12+$0x0], $0xffff;
	v17 =	vadd.s32 s26, v3;
	[tilespmem:s0+$0x20] =	vst v9  }
0x3e: {  	v18 =	vadd.s32 s28, v2;
	v8 =	vld.idx.msk [tilespmem:v8+s12+$0x0], $0xffff;
	[tilespmem:s25+$0x0] =	vst v10  }
0x3f: {  	v9 =	vadd.s32 s31, v1;
	[tilespmem:s22+$0xFFFFFFE0] =	vst v12;
	v10 =	vld.idx.msk [tilespmem:v11+s12+$0x0], $0xffff  }
0x40: {  	s3 =	simm.s32 $0x30;
	[tilespmem:s24+$0xFFFFFFC0] =	vst v14;
	v14 =	vadd.s32 s1, v7;
	v19 =	vld.idx.msk [tilespmem:v13+s12+$0x0], $0xffff  }
0x41: {  	v11 =	vadd.s32 s3, v0;
	v20 =	vld.idx.msk [tilespmem:v15+s12+$0x0], $0xffff  }
0x42: {  	[tilespmem:s29+$0xFFFFFFA0] =	vst v16;
	s1 =	simm.s32 $0x88C0;
	v21 =	vld.idx.msk [tilespmem:v17+s12+$0x0], $0xffff;
	v17 =	vadd.s32 s30, v6  }
0x43: {  	v12 =	vld.idx.msk [tilespmem:v18+s12+$0x0], $0xffff;
	[tilespmem:s1+$0xFFFFFF80] =	vst v8;
	v8 =	vadd.s32 s23, v5  }
0x44: {  	v13 =	vld.idx.msk [tilespmem:v9+s12+$0x0], $0xffff;
	v9 =	vadd.s32 s26, v4;
	[tilespmem:s0+$0x40] =	vst v10  }
0x45: {  	v10 =	vld.idx.msk [tilespmem:v14+s12+$0x0], $0xffff;
	v14 =	vadd.s32 s28, v3  }
0x46: {  	v16 =	vadd.s32 s31, v2;
	v15 =	vld.idx.msk [tilespmem:v11+s12+$0x0], $0xffff;
	[tilespmem:s25+$0x20] =	vst v19  }
0x47: {  	s9 =	simm.s32 $0x38;
	[tilespmem:s22+$0x0] =	vst v20;
	v11 =	vld.idx.msk [tilespmem:v17+s12+$0x0], $0xffff;
	v17 =	vadd.s32 s3, v1  }
0x48: {  	s5 =	sshll.u32 s20, $0x1;
	s10 =	simm.s32 $0x40;
	s6 =	simm.s32 $0x88C0;
	v18 =	vadd.s32 s9, v0;
	[tilespmem:s24+$0xFFFFFFE0] =	vst v21;
	v8 =	vld.idx.msk [tilespmem:v8+s12+$0x0], $0xffff  }
.LBB2_3:
0x49: {  	p1 =	sne.s32 s10, $0x3E0;
	[tilespmem:s29+$0xFFFFFFC0] =	vst v12;
	v19 =	vld.idx.msk [tilespmem:v9+s12+$0x0], $0xffff;
	v20 =	vadd.s32 s30, v7;
	s30 =	smov.u32 s23;
	s23 =	smov.u32 s26  }
0x4a: {  	s6 =	sadd.s32 $0x100, s6;
	s26 =	smov.u32 s28;
	s28 =	smov.u32 s31;
	[tilespmem:s1+$0xFFFFFFA0] =	vst v13;
	v21 =	vld.idx.msk [tilespmem:v14+s12+$0x0], $0xffff;
	v22 =	vadd.s32 s30, v6  }
0x4b: {  	s31 =	smov.u32 s3;
	s3 =	smov.u32 s9;
	s9 =	smov.u32 s10;
	v23 =	vadd.s32 s23, v5;
	[tilespmem:s6+$0xFFFFFF80] =	vst v15;
	v12 =	vld.idx.msk [tilespmem:v16+s12+$0x0], $0xffff  }
.Ltmp0:
0x4c: {  	v9 =	vadd.s32 s26, v4;
	v13 =	vld.idx.msk [tilespmem:v17+s12+$0x0], $0xffff;
	[tilespmem:s0+$0x60] =	vst v10;
	s0 =	smov.u32 s25;
	s25 =	smov.u32 s22;
	(pc) =	sbr.rel @p1 .LBB2_3-.Ltmp0, $4  }
0x4d: {  	v14 =	vadd.s32 s28, v3;
	s22 =	smov.u32 s24;
	s24 =	smov.u32 s29;
	s29 =	smov.u32 s1;
	v15 =	vld.idx.msk [tilespmem:v18+s12+$0x0], $0xffff;
	[tilespmem:s0+$0x40] =	vst v11  }
0x4e: {  	v16 =	vadd.s32 s31, v2;
	s1 =	smov.u32 s6;
	[tilespmem:s25+$0x20] =	vst v8;
	v10 =	vld.idx.msk [tilespmem:v20+s12+$0x0], $0xffff  }
0x4f: {  	v17 =	vadd.s32 s3, v1;
	[tilespmem:s22+$0x0] =	vst v19;
	v11 =	vld.idx.msk [tilespmem:v22+s12+$0x0], $0xffff  }
0x50: {  	s10 =	sadd.s32 $0x8, s10;
	v18 =	vadd.s32 s9, v0;
	[tilespmem:s24+$0xFFFFFFE0] =	vst v21;
	v8 =	vld.idx.msk [tilespmem:v23+s12+$0x0], $0xffff  }
0x51: {  	_ =	sdelay $0x3  }
0x52: {  	v18 =	vld.idx.msk [tilespmem:v18+s12+$0x0], $0xffff  }
0x53: {  	v19 =	vadd.s32 s9, v1;
	_ =	sdelay $0x1  }
0x54: {  	s10 =	sadd.s32 $0x100, s6  }
0x55: {  	[tilespmem:s10+$0xFFFFFF80] =	vst v15;
	s6 =	sadd.s32 $0x100, s10  }
0x56: {  	v15 =	vld.idx.msk [tilespmem:v17+s12+$0x0], $0xffff;
	[tilespmem:s6+$0xFFFFFF80] =	vst v18  }
0x57: {  	v17 =	vadd.s32 s3, v2;
	v18 =	vld.idx.msk [tilespmem:v19+s12+$0x0], $0xffff  }
0x58: {  	v19 =	vadd.s32 s9, v2;
	_ =	sdelay $0x1  }
0x59: {  	[tilespmem:s1+$0xFFFFFFA0] =	vst v13  }
0x5a: {  	v13 =	vld.idx.msk [tilespmem:v16+s12+$0x0], $0xffff;
	[tilespmem:s10+$0xFFFFFFA0] =	vst v15  }
0x5b: {  	v15 =	vadd.s32 s31, v3;
	v16 =	vld.idx.msk [tilespmem:v17+s12+$0x0], $0xffff;
	[tilespmem:s6+$0xFFFFFFA0] =	vst v18  }
0x5c: {  	v17 =	vadd.s32 s3, v3;
	v18 =	vld.idx.msk [tilespmem:v19+s12+$0x0], $0xffff  }
0x5d: {  	[tilespmem:s29+$0xFFFFFFC0] =	vst v12;
	v19 =	vadd.s32 s9, v3  }
0x5e: {  	v12 =	vld.idx.msk [tilespmem:v14+s12+$0x0], $0xffff;
	[tilespmem:s0+$0x60] =	vst v10  }
0x5f: {  	[tilespmem:s1+$0xFFFFFFC0] =	vst v13;
	v13 =	vadd.s32 s28, v4  }
0x60: {  	v14 =	vld.idx.msk [tilespmem:v15+s12+$0x0], $0xffff;
	[tilespmem:s10+$0xFFFFFFC0] =	vst v16  }
0x61: {  	v15 =	vadd.s32 s31, v4;
	v16 =	vld.idx.msk [tilespmem:v17+s12+$0x0], $0xffff;
	[tilespmem:s6+$0xFFFFFFC0] =	vst v18  }
0x62: {  	v10 =	vadd.s32 s3, v4;
	[tilespmem:s25+$0x40] =	vst v11;
	v17 =	vld.idx.msk [tilespmem:v19+s12+$0x0], $0xffff  }
0x63: {  	v9 =	vld.idx.msk [tilespmem:v9+s12+$0x0], $0xffff;
	v11 =	vadd.s32 s9, v4;
	[tilespmem:s29+$0xFFFFFFE0] =	vst v12  }
0x64: {  	[tilespmem:s22+$0x20] =	vst v8;
	v12 =	vadd.s32 s26, v5;
	v13 =	vld.idx.msk [tilespmem:v13+s12+$0x0], $0xffff  }
0x65: {  	[tilespmem:s1+$0xFFFFFFE0] =	vst v14;
	v14 =	vadd.s32 s28, v5  }
0x66: {  	v18 =	vadd.s32 s30, v7;
	v15 =	vld.idx.msk [tilespmem:v15+s12+$0x0], $0xffff;
	[tilespmem:s10+$0xFFFFFFE0] =	vst v16  }
0x67: {  	v16 =	vadd.s32 s31, v5;
	v10 =	vld.idx.msk [tilespmem:v10+s12+$0x0], $0xffff;
	[tilespmem:s6+$0xFFFFFFE0] =	vst v17  }
0x68: {  	v8 =	vadd.s32 s3, v5;
	[tilespmem:s24+$0x0] =	vst v9;
	v11 =	vld.idx.msk [tilespmem:v11+s12+$0x0], $0xffff  }
0x69: {  	v9 =	vadd.s32 s9, v5;
	v12 =	vld.idx.msk [tilespmem:v12+s12+$0x0], $0xffff;
	[tilespmem:s29+$0x0] =	vst v13  }
0x6a: {  	v13 =	vadd.s32 s26, v6;
	v14 =	vld.idx.msk [tilespmem:v14+s12+$0x0], $0xffff  }
0x6b: {  	v17 =	vld.idx.msk [tilespmem:v18+s12+$0x0], $0xffff;
	v18 =	vadd.s32 s23, v6;
	[tilespmem:s1+$0x0] =	vst v15  }
0x6c: {  	v15 =	vadd.s32 s28, v6;
	v16 =	vld.idx.msk [tilespmem:v16+s12+$0x0], $0xffff;
	[tilespmem:s10+$0x0] =	vst v10  }
0x6d: {  	v10 =	vadd.s32 s31, v6;
	v8 =	vld.idx.msk [tilespmem:v8+s12+$0x0], $0xffff;
	[tilespmem:s6+$0x0] =	vst v11  }
0x6e: {  	[tilespmem:s24+$0x20] =	vst v12;
	v11 =	vadd.s32 s3, v6;
	v9 =	vld.idx.msk [tilespmem:v9+s12+$0x0], $0xffff  }
0x6f: {  	v12 =	vadd.s32 s9, v6;
	v13 =	vld.idx.msk [tilespmem:v13+s12+$0x0], $0xffff;
	[tilespmem:s29+$0x20] =	vst v14  }
0x70: {  	v14 =	vadd.s32 s26, v7;
	[tilespmem:s25+$0x60] =	vst v17;
	v17 =	vld.idx.msk [tilespmem:v18+s12+$0x0], $0xffff  }
0x71: {  	v18 =	vadd.s32 s23, v7;
	v15 =	vld.idx.msk [tilespmem:v15+s12+$0x0], $0xffff;
	[tilespmem:s1+$0x20] =	vst v16  }
0x72: {  	v16 =	vadd.s32 s28, v7;
	v10 =	vld.idx.msk [tilespmem:v10+s12+$0x0], $0xffff;
	[tilespmem:s10+$0x20] =	vst v8  }
0x73: {  	v8 =	vadd.s32 s31, v7;
	v11 =	vld.idx.msk [tilespmem:v11+s12+$0x0], $0xffff;
	[tilespmem:s6+$0x20] =	vst v9  }
0x74: {  	[tilespmem:s24+$0x40] =	vst v13;
	v9 =	vadd.s32 s3, v7;
	v12 =	vld.idx.msk [tilespmem:v12+s12+$0x0], $0xffff  }
0x75: {  	v13 =	vadd.s32 s9, v7;
	v14 =	vld.idx.msk [tilespmem:v14+s12+$0x0], $0xffff;
	[tilespmem:s22+$0x40] =	vst v17  }
0x76: {  	[tilespmem:s29+$0x40] =	vst v15;
	v17 =	vld.idx.msk [tilespmem:v18+s12+$0x0], $0xffff  }
0x77: {  	v15 =	vld.idx.msk [tilespmem:v16+s12+$0x0], $0xffff;
	[tilespmem:s1+$0x40] =	vst v10  }
0x78: {  	v8 =	vld.idx.msk [tilespmem:v8+s12+$0x0], $0xffff;
	[tilespmem:s10+$0x40] =	vst v11  }
0x79: {  	v9 =	vld.idx.msk [tilespmem:v9+s12+$0x0], $0xffff;
	[tilespmem:s6+$0x40] =	vst v12  }
0x7a: {  	[tilespmem:s24+$0x60] =	vst v14;
	v10 =	vld.idx.msk [tilespmem:v13+s12+$0x0], $0xffff  }
0x7b: {  	[tilespmem:s22+$0x60] =	vst v17  }
0x7c: {  	[tilespmem:s29+$0x60] =	vst v15  }
0x7d: {  	[tilespmem:s1+$0x60] =	vst v8  }
0x7e: {  	s17 =	simm.s32 $0x0;
	[tilespmem:s10+$0x60] =	vst v9  }
0x7f: {  	v8 =	vadd.s32 s17, v0;
	[tilespmem:s6+$0x60] =	vst v10  }
0x80: {  	s22 =	sor.u32 $0x1, s5;
	_ =	swait.ge [sflag:s15], $0x3E80  }
0x81: {  	s26 =	sshll.u32 s22, $0x5;
	[sflag:s15] =	ssyncset.done $0x0  }
0x82: {  	s23 =	sand.u32 $0x3FFFFFE0, s26;
	[sflag:s15] =	ssyncadd.s32 $0xFFFFC180  }
0x83: {  	[tilespmem:s12], [sflag:$0x1] =	stream.indirect.gather [hbm4b:s4+s11], $0x3E8, s23, s11, $0xb8;
	[tilespmem:$0x17D40] =	vst v63  }
0x84: {  	v8 =	vld.idx.msk [tilespmem:v8+s14+$0x0], $0xffff  }
0x85: {  	s0 =	simm.s32 $0x8;
	v9 =	vadd.s32 s17, v1  }
0x86: {  	v10 =	vadd.s32 s0, v0;
	_ =	sdelay $0x1  }
0x87: {  	s1 =	simm.s32 $0x83D0  }
0x88: {  	[tilespmem:s1+$0xFFFFFF80] =	vst v8  }
0x89: {  	v8 =	vld.idx.msk [tilespmem:v9+s14+$0x0], $0xffff  }
0x8a: {  	v9 =	vld.idx.msk [tilespmem:v10+s14+$0x0], $0xffff;
	v10 =	vadd.s32 s17, v2  }
0x8b: {  	s25 =	simm.s32 $0x10;
	v11 =	vadd.s32 s0, v1  }
0x8c: {  	v12 =	vadd.s32 s25, v0;
	_ =	sdelay $0x1  }
0x8d: {  	s28 =	simm.s32 $0x84D0;
	[tilespmem:s1+$0xFFFFFFA0] =	vst v8  }
0x8e: {  	[tilespmem:s28+$0xFFFFFF80] =	vst v9;
	v8 =	vld.idx.msk [tilespmem:v10+s14+$0x0], $0xffff  }
0x8f: {  	v9 =	vld.idx.msk [tilespmem:v11+s14+$0x0], $0xffff;
	v10 =	vadd.s32 s17, v3  }
0x90: {  	v11 =	vld.idx.msk [tilespmem:v12+s14+$0x0], $0xffff;
	v12 =	vadd.s32 s0, v2  }
0x91: {  	s29 =	simm.s32 $0x18;
	v13 =	vadd.s32 s25, v1  }
0x92: {  	v14 =	vadd.s32 s29, v0  }
0x93: {  	[tilespmem:s1+$0xFFFFFFC0] =	vst v8  }
0x94: {  	s24 =	simm.s32 $0x85D0;
	[tilespmem:s28+$0xFFFFFFA0] =	vst v9;
	v8 =	vld.idx.msk [tilespmem:v10+s14+$0x0], $0xffff  }
0x95: {  	[tilespmem:s24+$0xFFFFFF80] =	vst v11;
	v9 =	vld.idx.msk [tilespmem:v12+s14+$0x0], $0xffff;
	v10 =	vadd.s32 s17, v4  }
0x96: {  	v11 =	vld.idx.msk [tilespmem:v13+s14+$0x0], $0xffff;
	v12 =	vadd.s32 s0, v3  }
0x97: {  	v13 =	vld.idx.msk [tilespmem:v14+s14+$0x0], $0xffff;
	v14 =	vadd.s32 s25, v2  }
0x98: {  	s30 =	simm.s32 $0x20;
	v15 =	vadd.s32 s29, v1  }
0x99: {  	v16 =	vadd.s32 s30, v0;
	[tilespmem:s1+$0xFFFFFFE0] =	vst v8  }
0x9a: {  	[tilespmem:s28+$0xFFFFFFC0] =	vst v9;
	v8 =	vld.idx.msk [tilespmem:v10+s14+$0x0], $0xffff  }
0x9b: {  	s26 =	simm.s32 $0x86D0;
	[tilespmem:s24+$0xFFFFFFA0] =	vst v11;
	v9 =	vld.idx.msk [tilespmem:v12+s14+$0x0], $0xffff;
	v10 =	vadd.s32 s17, v5  }
0x9c: {  	[tilespmem:s26+$0xFFFFFF80] =	vst v13;
	v11 =	vld.idx.msk [tilespmem:v14+s14+$0x0], $0xffff;
	v12 =	vadd.s32 s0, v4  }
0x9d: {  	v13 =	vld.idx.msk [tilespmem:v15+s14+$0x0], $0xffff;
	v14 =	vadd.s32 s25, v3  }
0x9e: {  	v15 =	vld.idx.msk [tilespmem:v16+s14+$0x0], $0xffff;
	v16 =	vadd.s32 s29, v2  }
0x9f: {  	[tilespmem:s1+$0x0] =	vst v8  }
0xa0: {  	s9 =	simm.s32 $0x28;
	v17 =	vadd.s32 s30, v1;
	[tilespmem:s28+$0xFFFFFFE0] =	vst v9;
	v9 =	vld.idx.msk [tilespmem:v10+s14+$0x0], $0xffff  }
0xa1: {  	v8 =	vadd.s32 s9, v0;
	[tilespmem:s24+$0xFFFFFFC0] =	vst v11;
	v10 =	vld.idx.msk [tilespmem:v12+s14+$0x0], $0xffff  }
0xa2: {  	v11 =	vadd.s32 s17, v6;
	[tilespmem:s26+$0xFFFFFFA0] =	vst v13;
	v12 =	vld.idx.msk [tilespmem:v14+s14+$0x0], $0xffff  }
0xa3: {  	s31 =	simm.s32 $0x87D0;
	v13 =	vadd.s32 s0, v5;
	v14 =	vld.idx.msk [tilespmem:v16+s14+$0x0], $0xffff  }
0xa4: {  	[tilespmem:s31+$0xFFFFFF80] =	vst v15;
	v15 =	vadd.s32 s25, v4  }
0xa5: {  	v16 =	vld.idx.msk [tilespmem:v17+s14+$0x0], $0xffff;
	v17 =	vadd.s32 s29, v3;
	[tilespmem:s1+$0x20] =	vst v9  }
0xa6: {  	v18 =	vadd.s32 s30, v2;
	v8 =	vld.idx.msk [tilespmem:v8+s14+$0x0], $0xffff;
	[tilespmem:s28+$0x0] =	vst v10  }
0xa7: {  	v9 =	vadd.s32 s9, v1;
	[tilespmem:s24+$0xFFFFFFE0] =	vst v12;
	v10 =	vld.idx.msk [tilespmem:v11+s14+$0x0], $0xffff  }
0xa8: {  	s5 =	simm.s32 $0x30;
	[tilespmem:s26+$0xFFFFFFC0] =	vst v14;
	v14 =	vadd.s32 s17, v7;
	v19 =	vld.idx.msk [tilespmem:v13+s14+$0x0], $0xffff  }
0xa9: {  	v11 =	vadd.s32 s5, v0;
	v20 =	vld.idx.msk [tilespmem:v15+s14+$0x0], $0xffff  }
0xaa: {  	s3 =	simm.s32 $0x88D0;
	[tilespmem:s31+$0xFFFFFFA0] =	vst v16;
	v21 =	vld.idx.msk [tilespmem:v17+s14+$0x0], $0xffff;
	v17 =	vadd.s32 s0, v6  }
0xab: {  	v12 =	vld.idx.msk [tilespmem:v18+s14+$0x0], $0xffff;
	[tilespmem:s3+$0xFFFFFF80] =	vst v8;
	v8 =	vadd.s32 s25, v5  }
0xac: {  	v13 =	vld.idx.msk [tilespmem:v9+s14+$0x0], $0xffff;
	v9 =	vadd.s32 s29, v4;
	[tilespmem:s1+$0x40] =	vst v10  }
0xad: {  	v10 =	vld.idx.msk [tilespmem:v14+s14+$0x0], $0xffff;
	v14 =	vadd.s32 s30, v3  }
0xae: {  	v16 =	vadd.s32 s9, v2;
	v15 =	vld.idx.msk [tilespmem:v11+s14+$0x0], $0xffff;
	[tilespmem:s28+$0x20] =	vst v19  }
0xaf: {  	s6 =	simm.s32 $0x38;
	[tilespmem:s24+$0x0] =	vst v20;
	v11 =	vld.idx.msk [tilespmem:v17+s14+$0x0], $0xffff;
	v17 =	vadd.s32 s5, v1  }
0xb0: {  	s10 =	simm.s32 $0x88D0;
	s17 =	simm.s32 $0x40;
	v18 =	vadd.s32 s6, v0;
	[tilespmem:s26+$0xFFFFFFE0] =	vst v21;
	v8 =	vld.idx.msk [tilespmem:v8+s14+$0x0], $0xffff  }
.LBB2_5:
0xb1: {  	p1 =	sne.s32 s17, $0x3E0;
	[tilespmem:s31+$0xFFFFFFC0] =	vst v12;
	v19 =	vld.idx.msk [tilespmem:v9+s14+$0x0], $0xffff;
	v20 =	vadd.s32 s0, v7;
	s0 =	smov.u32 s25;
	s25 =	smov.u32 s29  }
0xb2: {  	s10 =	sadd.s32 $0x100, s10;
	s29 =	smov.u32 s30;
	s30 =	smov.u32 s9;
	[tilespmem:s3+$0xFFFFFFA0] =	vst v13;
	v21 =	vld.idx.msk [tilespmem:v14+s14+$0x0], $0xffff;
	v22 =	vadd.s32 s0, v6  }
0xb3: {  	s9 =	smov.u32 s5;
	s5 =	smov.u32 s6;
	s6 =	smov.u32 s17;
	v23 =	vadd.s32 s25, v5;
	[tilespmem:s10+$0xFFFFFF80] =	vst v15;
	v12 =	vld.idx.msk [tilespmem:v16+s14+$0x0], $0xffff  }
.Ltmp1:
0xb4: {  	v9 =	vadd.s32 s29, v4;
	v13 =	vld.idx.msk [tilespmem:v17+s14+$0x0], $0xffff;
	[tilespmem:s1+$0x60] =	vst v10;
	s1 =	smov.u32 s28;
	s28 =	smov.u32 s24;
	(pc) =	sbr.rel @p1 .LBB2_5-.Ltmp1, $4  }
0xb5: {  	v14 =	vadd.s32 s30, v3;
	s24 =	smov.u32 s26;
	s26 =	smov.u32 s31;
	s31 =	smov.u32 s3;
	v15 =	vld.idx.msk [tilespmem:v18+s14+$0x0], $0xffff;
	[tilespmem:s1+$0x40] =	vst v11  }
0xb6: {  	v16 =	vadd.s32 s9, v2;
	s3 =	smov.u32 s10;
	[tilespmem:s28+$0x20] =	vst v8;
	v10 =	vld.idx.msk [tilespmem:v20+s14+$0x0], $0xffff  }
0xb7: {  	v17 =	vadd.s32 s5, v1;
	[tilespmem:s24+$0x0] =	vst v19;
	v11 =	vld.idx.msk [tilespmem:v22+s14+$0x0], $0xffff  }
0xb8: {  	s17 =	sadd.s32 $0x8, s17;
	v18 =	vadd.s32 s6, v0;
	[tilespmem:s26+$0xFFFFFFE0] =	vst v21;
	v8 =	vld.idx.msk [tilespmem:v23+s14+$0x0], $0xffff  }
0xb9: {  	_ =	sdelay $0x3  }
0xba: {  	v18 =	vld.idx.msk [tilespmem:v18+s14+$0x0], $0xffff  }
0xbb: {  	v19 =	vadd.s32 s6, v1;
	_ =	sdelay $0x1  }
0xbc: {  	s17 =	sadd.s32 $0x100, s10  }
0xbd: {  	[tilespmem:s17+$0xFFFFFF80] =	vst v15;
	s10 =	sadd.s32 $0x100, s17  }
0xbe: {  	v15 =	vld.idx.msk [tilespmem:v17+s14+$0x0], $0xffff;
	[tilespmem:s10+$0xFFFFFF80] =	vst v18  }
0xbf: {  	v33 =	vadd.s32 s5, v2;
	v18 =	vld.idx.msk [tilespmem:v19+s14+$0x0], $0xffff  }
0xc0: {  	v34 =	vadd.s32 s6, v2;
	_ =	sdelay $0x1  }
0xc1: {  	[tilespmem:s3+$0xFFFFFFA0] =	vst v13  }
0xc2: {  	v13 =	vld.idx.msk [tilespmem:v16+s14+$0x0], $0xffff;
	[tilespmem:s17+$0xFFFFFFA0] =	vst v15  }
0xc3: {  	v35 =	vadd.s32 s9, v3;
	v36 =	vld.idx.msk [tilespmem:v33+s14+$0x0], $0xffff;
	[tilespmem:s10+$0xFFFFFFA0] =	vst v18  }
0xc4: {  	v37 =	vadd.s32 s5, v3;
	v18 =	vld.idx.msk [tilespmem:v34+s14+$0x0], $0xffff  }
0xc5: {  	v38 =	vadd.s32 s6, v3  }
0xc6: {  	[tilespmem:s31+$0xFFFFFFC0] =	vst v12  }
0xc7: {  	v12 =	vld.idx.msk [tilespmem:v14+s14+$0x0], $0xffff;
	[tilespmem:s3+$0xFFFFFFC0] =	vst v13  }
0xc8: {  	v39 =	vadd.s32 s30, v4;
	v40 =	vld.idx.msk [tilespmem:v35+s14+$0x0], $0xffff;
	[tilespmem:s17+$0xFFFFFFC0] =	vst v36  }
0xc9: {  	v41 =	vadd.s32 s9, v4;
	v16 =	vld.idx.msk [tilespmem:v37+s14+$0x0], $0xffff;
	[tilespmem:s10+$0xFFFFFFC0] =	vst v18  }
0xca: {  	v42 =	vadd.s32 s5, v4;
	[tilespmem:s1+$0x60] =	vst v10;
	v43 =	vld.idx.msk [tilespmem:v38+s14+$0x0], $0xffff  }
0xcb: {  	v44 =	vadd.s32 s6, v4;
	[tilespmem:s28+$0x40] =	vst v11  }
0xcc: {  	v9 =	vld.idx.msk [tilespmem:v9+s14+$0x0], $0xffff;
	v45 =	vadd.s32 s0, v7;
	[tilespmem:s31+$0xFFFFFFE0] =	vst v12  }
0xcd: {  	v46 =	vadd.s32 s29, v5;
	v13 =	vld.idx.msk [tilespmem:v39+s14+$0x0], $0xffff;
	[tilespmem:s3+$0xFFFFFFE0] =	vst v40  }
0xce: {  	v47 =	vadd.s32 s30, v5;
	v15 =	vld.idx.msk [tilespmem:v41+s14+$0x0], $0xffff;
	[tilespmem:s17+$0xFFFFFFE0] =	vst v16  }
0xcf: {  	v48 =	vadd.s32 s9, v5;
	v10 =	vld.idx.msk [tilespmem:v42+s14+$0x0], $0xffff;
	[tilespmem:s10+$0xFFFFFFE0] =	vst v43  }
0xd0: {  	[tilespmem:s24+$0x20] =	vst v8;
	v8 =	vadd.s32 s5, v5;
	v11 =	vld.idx.msk [tilespmem:v44+s14+$0x0], $0xffff  }
0xd1: {  	v50 =	vadd.s32 s6, v5;
	v49 =	vld.idx.msk [tilespmem:v45+s14+$0x0], $0xffff;
	[tilespmem:s26+$0x0] =	vst v9  }
0xd2: {  	v51 =	vadd.s32 s25, v6;
	v12 =	vld.idx.msk [tilespmem:v46+s14+$0x0], $0xffff;
	[tilespmem:s31+$0x0] =	vst v13  }
0xd3: {  	v52 =	vadd.s32 s29, v6;
	v14 =	vld.idx.msk [tilespmem:v47+s14+$0x0], $0xffff;
	[tilespmem:s3+$0x0] =	vst v15  }
0xd4: {  	v53 =	vadd.s32 s30, v6;
	v16 =	vld.idx.msk [tilespmem:v48+s14+$0x0], $0xffff;
	[tilespmem:s17+$0x0] =	vst v10  }
0xd5: {  	v54 =	vadd.s32 s9, v6;
	v8 =	vld.idx.msk [tilespmem:v8+s14+$0x0], $0xffff;
	[tilespmem:s10+$0x0] =	vst v11  }
0xd6: {  	v55 =	vadd.s32 s5, v6;
	[tilespmem:s28+$0x60] =	vst v49;
	v9 =	vld.idx.msk [tilespmem:v50+s14+$0x0], $0xffff  }
0xd7: {  	v57 =	vadd.s32 s6, v6;
	v56 =	vld.idx.msk [tilespmem:v51+s14+$0x0], $0xffff;
	[tilespmem:s26+$0x20] =	vst v12  }
0xd8: {  	v58 =	vadd.s32 s25, v7;
	v13 =	vld.idx.msk [tilespmem:v52+s14+$0x0], $0xffff;
	[tilespmem:s31+$0x20] =	vst v14  }
0xd9: {  	v59 =	vadd.s32 s29, v7;
	v15 =	vld.idx.msk [tilespmem:v53+s14+$0x0], $0xffff;
	[tilespmem:s3+$0x20] =	vst v16  }
0xda: {  	v60 =	vadd.s32 s30, v7;
	v10 =	vld.idx.msk [tilespmem:v54+s14+$0x0], $0xffff;
	[tilespmem:s17+$0x20] =	vst v8  }
0xdb: {  	v8 =	vadd.s32 s9, v7;
	v11 =	vld.idx.msk [tilespmem:v55+s14+$0x0], $0xffff;
	[tilespmem:s10+$0x20] =	vst v9  }
0xdc: {  	v61 =	vadd.s32 s5, v7;
	[tilespmem:s24+$0x40] =	vst v56;
	v12 =	vld.idx.msk [tilespmem:v57+s14+$0x0], $0xffff  }
0xdd: {  	v62 =	vadd.s32 s6, v7;
	v17 =	vld.idx.msk [tilespmem:v58+s14+$0x0], $0xffff;
	[tilespmem:s26+$0x40] =	vst v13  }
0xde: {  	v14 =	vld.idx.msk [tilespmem:v59+s14+$0x0], $0xffff;
	[tilespmem:s31+$0x40] =	vst v15  }
0xdf: {  	v15 =	vld.idx.msk [tilespmem:v60+s14+$0x0], $0xffff;
	[tilespmem:s3+$0x40] =	vst v10  }
0xe0: {  	v8 =	vld.idx.msk [tilespmem:v8+s14+$0x0], $0xffff;
	[tilespmem:s17+$0x40] =	vst v11  }
0xe1: {  	v9 =	vld.idx.msk [tilespmem:v61+s14+$0x0], $0xffff;
	[tilespmem:s10+$0x40] =	vst v12  }
0xe2: {  	s30 =	smul.u32 $0x1F4000, s20;
	[tilespmem:s24+$0x60] =	vst v17;
	v63 =	vld.idx.msk [tilespmem:v62+s14+$0x0], $0xffff  }
0xe3: {  	[tilespmem:s26+$0x60] =	vst v14  }
0xe4: {  	s0 =	sor.u32 s7, s30;
	[tilespmem:s31+$0x60] =	vst v15  }
0xe5: {  	s0 =	sshrl.u32 s0, $0x3;
	[tilespmem:s3+$0x60] =	vst v8  }
0xe6: {  	s0 =	sadd.s32 s2, s0;
	[tilespmem:s17+$0x60] =	vst v9  }
0xe7: {  	s1 =	simm.s32 $0x400;
	s5 =	sadd.s32 $0x0, s0;
	s3 =	simm.s32 $0x8340;
	[tilespmem:s10+$0x60] =	vst v63  }
.LBB2_7:
0xe8: {  	[hbm4b:s5+s8] =	stream.strided.scatter [tilespmem:s3], [sflag:$0x3], $0x100, s16, s8, $0x38;
	[tilespmem:$0x17D40] =	vst v63  }
0xe9: {  	s5 =	smov.u32 s1;
	p1 =	sne.s32 s1, $0x1F000  }
.Ltmp2:
0xea: {  	s1 =	sadd.s32 $0x400, s1;
	(pc) =	sbr.rel @p1 .LBB2_7-.Ltmp2, $3  }
0xeb: {  	_ =	sdelay $0x1  }
0xec: {  	s3 =	sshra.s32 s5, $0x2  }
0xed: {  	s5 =	sadd.s32 s5, s0;
	s3 =	sadd.s32 $0x8340, s3  }
0xee: {  	[hbm4b:s5+s8] =	stream.strided.scatter [tilespmem:s3], [sflag:$0x3], $0x100, s16, s8, $0x38;
	[tilespmem:$0x17D40] =	vst v63  }
0xef: {  	_ =	swait.ge [sflag:s13], $0x3E80  }
0xf0: {  	[sflag:s13] =	ssyncset.done $0x0  }
0xf1: {  	s0 =	sadd.s32 $0x10, s23;
	s31 =	simm.s32 $0x0;
	[sflag:s13] =	ssyncadd.s32 $0xFFFFC180  }
0xf2: {  	v8 =	vadd.s32 s31, v0;
	[tilespmem:s14], [sflag:$0x2] =	stream.indirect.gather [hbm4b:s4+s11], $0x3E8, s0, s11, $0xb8;
	[tilespmem:$0x17D40] =	vst v63  }
0xf3: {  	s0 =	simm.s32 @!p0 $0x4  }
0xf4: {  	_ =	swait.ge @!p0 [sflag:s0], $0x7D00  }
0xf5: {  	[sflag:s0] =	ssyncset.done @!p0 $0x0  }
0xf6: {  	[sflag:s0] =	ssyncadd.s32 @!p0 $0xFFFF8300  }
0xf7: {  	v8 =	vld.idx.msk [tilespmem:v8+s12+$0x0], $0xffff  }
0xf8: {  	v9 =	vadd.s32 s31, v1;
	s0 =	simm.s32 $0x8  }
0xf9: {  	v10 =	vadd.s32 s0, v0;
	_ =	sdelay $0x1  }
0xfa: {  	s1 =	simm.s32 $0x100C0  }
0xfb: {  	[tilespmem:s1+$0xFFFFFF80] =	vst v8  }
0xfc: {  	v8 =	vld.idx.msk [tilespmem:v9+s12+$0x0], $0xffff  }
0xfd: {  	v9 =	vld.idx.msk [tilespmem:v10+s12+$0x0], $0xffff;
	v10 =	vadd.s32 s31, v2  }
0xfe: {  	s24 =	simm.s32 $0x10;
	v11 =	vadd.s32 s0, v1  }
0xff: {  	v12 =	vadd.s32 s24, v0;
	_ =	sdelay $0x1  }
0x100: {  	s26 =	simm.s32 $0x101C0;
	[tilespmem:s1+$0xFFFFFFA0] =	vst v8  }
0x101: {  	[tilespmem:s26+$0xFFFFFF80] =	vst v9;
	v8 =	vld.idx.msk [tilespmem:v10+s12+$0x0], $0xffff  }
0x102: {  	v9 =	vld.idx.msk [tilespmem:v11+s12+$0x0], $0xffff;
	v10 =	vadd.s32 s31, v3  }
0x103: {  	v11 =	vld.idx.msk [tilespmem:v12+s12+$0x0], $0xffff;
	v12 =	vadd.s32 s0, v2  }
0x104: {  	s28 =	simm.s32 $0x18;
	v13 =	vadd.s32 s24, v1  }
0x105: {  	v14 =	vadd.s32 s28, v0  }
0x106: {  	[tilespmem:s1+$0xFFFFFFC0] =	vst v8  }
0x107: {  	s23 =	simm.s32 $0x102C0;
	[tilespmem:s26+$0xFFFFFFA0] =	vst v9;
	v8 =	vld.idx.msk [tilespmem:v10+s12+$0x0], $0xffff  }
0x108: {  	[tilespmem:s23+$0xFFFFFF80] =	vst v11;
	v9 =	vld.idx.msk [tilespmem:v12+s12+$0x0], $0xffff;
	v10 =	vadd.s32 s31, v4  }
0x109: {  	v11 =	vld.idx.msk [tilespmem:v13+s12+$0x0], $0xffff;
	v12 =	vadd.s32 s0, v3  }
0x10a: {  	v13 =	vld.idx.msk [tilespmem:v14+s12+$0x0], $0xffff;
	v14 =	vadd.s32 s24, v2  }
0x10b: {  	s29 =	simm.s32 $0x20;
	v15 =	vadd.s32 s28, v1  }
0x10c: {  	v16 =	vadd.s32 s29, v0;
	[tilespmem:s1+$0xFFFFFFE0] =	vst v8  }
0x10d: {  	[tilespmem:s26+$0xFFFFFFC0] =	vst v9;
	v8 =	vld.idx.msk [tilespmem:v10+s12+$0x0], $0xffff  }
0x10e: {  	s25 =	simm.s32 $0x103C0;
	[tilespmem:s23+$0xFFFFFFA0] =	vst v11;
	v9 =	vld.idx.msk [tilespmem:v12+s12+$0x0], $0xffff;
	v10 =	vadd.s32 s31, v5  }
0x10f: {  	[tilespmem:s25+$0xFFFFFF80] =	vst v13;
	v11 =	vld.idx.msk [tilespmem:v14+s12+$0x0], $0xffff;
	v12 =	vadd.s32 s0, v4  }
0x110: {  	v13 =	vld.idx.msk [tilespmem:v15+s12+$0x0], $0xffff;
	v14 =	vadd.s32 s24, v3  }
0x111: {  	v15 =	vld.idx.msk [tilespmem:v16+s12+$0x0], $0xffff;
	v16 =	vadd.s32 s28, v2  }
0x112: {  	[tilespmem:s1+$0x0] =	vst v8  }
0x113: {  	s9 =	simm.s32 $0x28;
	v17 =	vadd.s32 s29, v1;
	[tilespmem:s26+$0xFFFFFFE0] =	vst v9;
	v9 =	vld.idx.msk [tilespmem:v10+s12+$0x0], $0xffff  }
0x114: {  	v8 =	vadd.s32 s9, v0;
	[tilespmem:s23+$0xFFFFFFC0] =	vst v11;
	v10 =	vld.idx.msk [tilespmem:v12+s12+$0x0], $0xffff  }
0x115: {  	v11 =	vadd.s32 s31, v6;
	[tilespmem:s25+$0xFFFFFFA0] =	vst v13;
	v12 =	vld.idx.msk [tilespmem:v14+s12+$0x0], $0xffff  }
0x116: {  	s30 =	simm.s32 $0x104C0;
	v13 =	vadd.s32 s0, v5;
	v14 =	vld.idx.msk [tilespmem:v16+s12+$0x0], $0xffff  }
0x117: {  	[tilespmem:s30+$0xFFFFFF80] =	vst v15;
	v15 =	vadd.s32 s24, v4  }
0x118: {  	v16 =	vld.idx.msk [tilespmem:v17+s12+$0x0], $0xffff;
	v17 =	vadd.s32 s28, v3;
	[tilespmem:s1+$0x20] =	vst v9  }
0x119: {  	v18 =	vadd.s32 s29, v2;
	v8 =	vld.idx.msk [tilespmem:v8+s12+$0x0], $0xffff;
	[tilespmem:s26+$0x0] =	vst v10  }
0x11a: {  	v9 =	vadd.s32 s9, v1;
	[tilespmem:s23+$0xFFFFFFE0] =	vst v12;
	v10 =	vld.idx.msk [tilespmem:v11+s12+$0x0], $0xffff  }
0x11b: {  	s5 =	simm.s32 $0x30;
	[tilespmem:s25+$0xFFFFFFC0] =	vst v14;
	v14 =	vadd.s32 s31, v7;
	v19 =	vld.idx.msk [tilespmem:v13+s12+$0x0], $0xffff  }
0x11c: {  	v11 =	vadd.s32 s5, v0;
	v20 =	vld.idx.msk [tilespmem:v15+s12+$0x0], $0xffff  }
0x11d: {  	s3 =	simm.s32 $0x105C0;
	[tilespmem:s30+$0xFFFFFFA0] =	vst v16;
	v21 =	vld.idx.msk [tilespmem:v17+s12+$0x0], $0xffff;
	v17 =	vadd.s32 s0, v6  }
0x11e: {  	v12 =	vld.idx.msk [tilespmem:v18+s12+$0x0], $0xffff;
	[tilespmem:s3+$0xFFFFFF80] =	vst v8;
	v8 =	vadd.s32 s24, v5  }
0x11f: {  	v13 =	vld.idx.msk [tilespmem:v9+s12+$0x0], $0xffff;
	v9 =	vadd.s32 s28, v4;
	[tilespmem:s1+$0x40] =	vst v10  }
0x120: {  	v10 =	vld.idx.msk [tilespmem:v14+s12+$0x0], $0xffff;
	v14 =	vadd.s32 s29, v3  }
0x121: {  	v16 =	vadd.s32 s9, v2;
	v15 =	vld.idx.msk [tilespmem:v11+s12+$0x0], $0xffff;
	[tilespmem:s26+$0x20] =	vst v19  }
0x122: {  	s6 =	simm.s32 $0x38;
	[tilespmem:s23+$0x0] =	vst v20;
	v11 =	vld.idx.msk [tilespmem:v17+s12+$0x0], $0xffff;
	v17 =	vadd.s32 s5, v1  }
0x123: {  	s17 =	simm.s32 $0x40;
	s10 =	simm.s32 $0x105C0;
	v18 =	vadd.s32 s6, v0;
	[tilespmem:s25+$0xFFFFFFE0] =	vst v21;
	v8 =	vld.idx.msk [tilespmem:v8+s12+$0x0], $0xffff  }
.LBB2_9:
0x124: {  	p0 =	sne.s32 s17, $0x3E0;
	[tilespmem:s30+$0xFFFFFFC0] =	vst v12;
	v19 =	vld.idx.msk [tilespmem:v9+s12+$0x0], $0xffff;
	v20 =	vadd.s32 s0, v7;
	s0 =	smov.u32 s24;
	s24 =	smov.u32 s28  }
0x125: {  	s10 =	sadd.s32 $0x100, s10;
	s28 =	smov.u32 s29;
	s29 =	smov.u32 s9;
	[tilespmem:s3+$0xFFFFFFA0] =	vst v13;
	v21 =	vld.idx.msk [tilespmem:v14+s12+$0x0], $0xffff;
	v22 =	vadd.s32 s0, v6  }
0x126: {  	s9 =	smov.u32 s5;
	s5 =	smov.u32 s6;
	s6 =	smov.u32 s17;
	v23 =	vadd.s32 s24, v5;
	[tilespmem:s10+$0xFFFFFF80] =	vst v15;
	v12 =	vld.idx.msk [tilespmem:v16+s12+$0x0], $0xffff  }
.Ltmp3:
0x127: {  	v9 =	vadd.s32 s28, v4;
	v13 =	vld.idx.msk [tilespmem:v17+s12+$0x0], $0xffff;
	[tilespmem:s1+$0x60] =	vst v10;
	s1 =	smov.u32 s26;
	s26 =	smov.u32 s23;
	(pc) =	sbr.rel @p0 .LBB2_9-.Ltmp3, $4  }
0x128: {  	v14 =	vadd.s32 s29, v3;
	s23 =	smov.u32 s25;
	s25 =	smov.u32 s30;
	s30 =	smov.u32 s3;
	v15 =	vld.idx.msk [tilespmem:v18+s12+$0x0], $0xffff;
	[tilespmem:s1+$0x40] =	vst v11  }
0x129: {  	v16 =	vadd.s32 s9, v2;
	s3 =	smov.u32 s10;
	[tilespmem:s26+$0x20] =	vst v8;
	v10 =	vld.idx.msk [tilespmem:v20+s12+$0x0], $0xffff  }
0x12a: {  	v17 =	vadd.s32 s5, v1;
	[tilespmem:s23+$0x0] =	vst v19;
	v11 =	vld.idx.msk [tilespmem:v22+s12+$0x0], $0xffff  }
0x12b: {  	s17 =	sadd.s32 $0x8, s17;
	v18 =	vadd.s32 s6, v0;
	[tilespmem:s25+$0xFFFFFFE0] =	vst v21;
	v8 =	vld.idx.msk [tilespmem:v23+s12+$0x0], $0xffff  }
0x12c: {  	_ =	sdelay $0x3  }
0x12d: {  	v18 =	vld.idx.msk [tilespmem:v18+s12+$0x0], $0xffff  }
0x12e: {  	v19 =	vadd.s32 s6, v1;
	_ =	sdelay $0x1  }
0x12f: {  	s10 =	sadd.s32 $0x100, s10  }
0x130: {  	[tilespmem:s10+$0xFFFFFF80] =	vst v15;
	s17 =	sadd.s32 $0x100, s10  }
0x131: {  	v15 =	vld.idx.msk [tilespmem:v17+s12+$0x0], $0xffff;
	[tilespmem:s17+$0xFFFFFF80] =	vst v18  }
0x132: {  	v17 =	vadd.s32 s5, v2;
	v18 =	vld.idx.msk [tilespmem:v19+s12+$0x0], $0xffff  }
0x133: {  	v19 =	vadd.s32 s6, v2;
	_ =	sdelay $0x1  }
0x134: {  	[tilespmem:s3+$0xFFFFFFA0] =	vst v13  }
0x135: {  	v13 =	vld.idx.msk [tilespmem:v16+s12+$0x0], $0xffff;
	[tilespmem:s10+$0xFFFFFFA0] =	vst v15  }
0x136: {  	v15 =	vadd.s32 s9, v3;
	v16 =	vld.idx.msk [tilespmem:v17+s12+$0x0], $0xffff;
	[tilespmem:s17+$0xFFFFFFA0] =	vst v18  }
0x137: {  	v17 =	vadd.s32 s5, v3;
	v18 =	vld.idx.msk [tilespmem:v19+s12+$0x0], $0xffff  }
0x138: {  	[tilespmem:s30+$0xFFFFFFC0] =	vst v12;
	v19 =	vadd.s32 s6, v3  }
0x139: {  	v12 =	vld.idx.msk [tilespmem:v14+s12+$0x0], $0xffff;
	[tilespmem:s1+$0x60] =	vst v10  }
0x13a: {  	[tilespmem:s3+$0xFFFFFFC0] =	vst v13;
	v13 =	vadd.s32 s29, v4  }
0x13b: {  	v14 =	vld.idx.msk [tilespmem:v15+s12+$0x0], $0xffff;
	[tilespmem:s10+$0xFFFFFFC0] =	vst v16  }
0x13c: {  	v15 =	vadd.s32 s9, v4;
	v16 =	vld.idx.msk [tilespmem:v17+s12+$0x0], $0xffff;
	[tilespmem:s17+$0xFFFFFFC0] =	vst v18  }
0x13d: {  	v10 =	vadd.s32 s5, v4;
	[tilespmem:s26+$0x40] =	vst v11;
	v17 =	vld.idx.msk [tilespmem:v19+s12+$0x0], $0xffff  }
0x13e: {  	v9 =	vld.idx.msk [tilespmem:v9+s12+$0x0], $0xffff;
	v11 =	vadd.s32 s6, v4;
	[tilespmem:s30+$0xFFFFFFE0] =	vst v12  }
0x13f: {  	[tilespmem:s23+$0x20] =	vst v8;
	v12 =	vadd.s32 s28, v5;
	v13 =	vld.idx.msk [tilespmem:v13+s12+$0x0], $0xffff  }
0x140: {  	[tilespmem:s3+$0xFFFFFFE0] =	vst v14;
	v14 =	vadd.s32 s29, v5  }
0x141: {  	v18 =	vadd.s32 s0, v7;
	v15 =	vld.idx.msk [tilespmem:v15+s12+$0x0], $0xffff;
	[tilespmem:s10+$0xFFFFFFE0] =	vst v16  }
0x142: {  	v16 =	vadd.s32 s9, v5;
	v10 =	vld.idx.msk [tilespmem:v10+s12+$0x0], $0xffff;
	[tilespmem:s17+$0xFFFFFFE0] =	vst v17  }
0x143: {  	v8 =	vadd.s32 s5, v5;
	[tilespmem:s25+$0x0] =	vst v9;
	v11 =	vld.idx.msk [tilespmem:v11+s12+$0x0], $0xffff  }
0x144: {  	v9 =	vadd.s32 s6, v5;
	v12 =	vld.idx.msk [tilespmem:v12+s12+$0x0], $0xffff;
	[tilespmem:s30+$0x0] =	vst v13  }
0x145: {  	v13 =	vadd.s32 s28, v6;
	v14 =	vld.idx.msk [tilespmem:v14+s12+$0x0], $0xffff  }
0x146: {  	v17 =	vld.idx.msk [tilespmem:v18+s12+$0x0], $0xffff;
	v18 =	vadd.s32 s24, v6;
	[tilespmem:s3+$0x0] =	vst v15  }
0x147: {  	v15 =	vadd.s32 s29, v6;
	v16 =	vld.idx.msk [tilespmem:v16+s12+$0x0], $0xffff;
	[tilespmem:s10+$0x0] =	vst v10  }
0x148: {  	v10 =	vadd.s32 s9, v6;
	v8 =	vld.idx.msk [tilespmem:v8+s12+$0x0], $0xffff;
	[tilespmem:s17+$0x0] =	vst v11  }
0x149: {  	[tilespmem:s25+$0x20] =	vst v12;
	v11 =	vadd.s32 s5, v6;
	v9 =	vld.idx.msk [tilespmem:v9+s12+$0x0], $0xffff  }
0x14a: {  	v12 =	vadd.s32 s6, v6;
	v13 =	vld.idx.msk [tilespmem:v13+s12+$0x0], $0xffff;
	[tilespmem:s30+$0x20] =	vst v14  }
0x14b: {  	v14 =	vadd.s32 s28, v7;
	[tilespmem:s26+$0x60] =	vst v17;
	v17 =	vld.idx.msk [tilespmem:v18+s12+$0x0], $0xffff  }
0x14c: {  	v18 =	vadd.s32 s24, v7;
	v15 =	vld.idx.msk [tilespmem:v15+s12+$0x0], $0xffff;
	[tilespmem:s3+$0x20] =	vst v16  }
0x14d: {  	v16 =	vadd.s32 s29, v7;
	v10 =	vld.idx.msk [tilespmem:v10+s12+$0x0], $0xffff;
	[tilespmem:s10+$0x20] =	vst v8  }
0x14e: {  	v8 =	vadd.s32 s9, v7;
	v11 =	vld.idx.msk [tilespmem:v11+s12+$0x0], $0xffff;
	[tilespmem:s17+$0x20] =	vst v9  }
0x14f: {  	[tilespmem:s25+$0x40] =	vst v13;
	v9 =	vadd.s32 s5, v7;
	v12 =	vld.idx.msk [tilespmem:v12+s12+$0x0], $0xffff  }
0x150: {  	v13 =	vadd.s32 s6, v7;
	v14 =	vld.idx.msk [tilespmem:v14+s12+$0x0], $0xffff;
	[tilespmem:s23+$0x40] =	vst v17  }
0x151: {  	[tilespmem:s30+$0x40] =	vst v15;
	v17 =	vld.idx.msk [tilespmem:v18+s12+$0x0], $0xffff  }
0x152: {  	v15 =	vld.idx.msk [tilespmem:v16+s12+$0x0], $0xffff;
	[tilespmem:s3+$0x40] =	vst v10  }
0x153: {  	v8 =	vld.idx.msk [tilespmem:v8+s12+$0x0], $0xffff;
	[tilespmem:s10+$0x40] =	vst v11  }
0x154: {  	v9 =	vld.idx.msk [tilespmem:v9+s12+$0x0], $0xffff;
	[tilespmem:s17+$0x40] =	vst v12  }
0x155: {  	[tilespmem:s25+$0x60] =	vst v14;
	v10 =	vld.idx.msk [tilespmem:v13+s12+$0x0], $0xffff  }
0x156: {  	[tilespmem:s23+$0x60] =	vst v17  }
0x157: {  	[tilespmem:s30+$0x60] =	vst v15  }
0x158: {  	[tilespmem:s3+$0x60] =	vst v8  }
0x159: {  	s31 =	simm.s32 $0x0;
	[tilespmem:s10+$0x60] =	vst v9  }
0x15a: {  	v8 =	vadd.s32 s31, v0;
	[tilespmem:s17+$0x60] =	vst v10  }
0x15b: {  	p0 =	seq.s32 s20, $0x18;
	_ =	swait.ge [sflag:s15], $0x3E80  }
0x15c: {  	s1 =	simm.s32 @!p0 $0x10;
	[sflag:s15] =	ssyncset.done $0x0  }
0x15d: {  	s0 =	sadd.s32 @!p0 $0x40, s21;
	s5 =	simm.s32 @!p0 $0x640;
	[sflag:s15] =	ssyncadd.s32 $0xFFFFC180  }
0x15e: {  	[tilespmem:s5], [sflag:$0x1] =	stream.indirect.gather @!p0 [hbm4b:s4+s1], $0x3E8, s0, s1, $0xb8;
	[tilespmem:$0x17D40] =	vst v63  }
0x15f: {  	v8 =	vld.idx.msk [tilespmem:v8+s14+$0x0], $0xffff  }
0x160: {  	v9 =	vadd.s32 s31, v1;
	s0 =	simm.s32 $0x8  }
0x161: {  	v10 =	vadd.s32 s0, v0;
	_ =	sdelay $0x1  }
0x162: {  	s1 =	simm.s32 $0x100D0  }
0x163: {  	[tilespmem:s1+$0xFFFFFF80] =	vst v8  }
0x164: {  	v8 =	vld.idx.msk [tilespmem:v9+s14+$0x0], $0xffff  }
0x165: {  	v9 =	vld.idx.msk [tilespmem:v10+s14+$0x0], $0xffff;
	v10 =	vadd.s32 s31, v2  }
0x166: {  	s23 =	simm.s32 $0x10;
	v11 =	vadd.s32 s0, v1  }
0x167: {  	v12 =	vadd.s32 s23, v0;
	_ =	sdelay $0x1  }
0x168: {  	s25 =	simm.s32 $0x101D0;
	[tilespmem:s1+$0xFFFFFFA0] =	vst v8  }
0x169: {  	[tilespmem:s25+$0xFFFFFF80] =	vst v9;
	v8 =	vld.idx.msk [tilespmem:v10+s14+$0x0], $0xffff  }
0x16a: {  	v9 =	vld.idx.msk [tilespmem:v11+s14+$0x0], $0xffff;
	v10 =	vadd.s32 s31, v3  }
0x16b: {  	v11 =	vld.idx.msk [tilespmem:v12+s14+$0x0], $0xffff;
	v12 =	vadd.s32 s0, v2  }
0x16c: {  	s26 =	simm.s32 $0x18;
	v13 =	vadd.s32 s23, v1  }
0x16d: {  	v14 =	vadd.s32 s26, v0  }
0x16e: {  	[tilespmem:s1+$0xFFFFFFC0] =	vst v8  }
0x16f: {  	s21 =	simm.s32 $0x102D0;
	[tilespmem:s25+$0xFFFFFFA0] =	vst v9;
	v8 =	vld.idx.msk [tilespmem:v10+s14+$0x0], $0xffff  }
0x170: {  	[tilespmem:s21+$0xFFFFFF80] =	vst v11;
	v9 =	vld.idx.msk [tilespmem:v12+s14+$0x0], $0xffff;
	v10 =	vadd.s32 s31, v4  }
0x171: {  	v11 =	vld.idx.msk [tilespmem:v13+s14+$0x0], $0xffff;
	v12 =	vadd.s32 s0, v3  }
0x172: {  	v13 =	vld.idx.msk [tilespmem:v14+s14+$0x0], $0xffff;
	v14 =	vadd.s32 s23, v2  }
0x173: {  	s28 =	simm.s32 $0x20;
	v15 =	vadd.s32 s26, v1  }
0x174: {  	v16 =	vadd.s32 s28, v0;
	[tilespmem:s1+$0xFFFFFFE0] =	vst v8  }
0x175: {  	[tilespmem:s25+$0xFFFFFFC0] =	vst v9;
	v8 =	vld.idx.msk [tilespmem:v10+s14+$0x0], $0xffff  }
0x176: {  	s24 =	simm.s32 $0x103D0;
	[tilespmem:s21+$0xFFFFFFA0] =	vst v11;
	v9 =	vld.idx.msk [tilespmem:v12+s14+$0x0], $0xffff;
	v10 =	vadd.s32 s31, v5  }
0x177: {  	[tilespmem:s24+$0xFFFFFF80] =	vst v13;
	v11 =	vld.idx.msk [tilespmem:v14+s14+$0x0], $0xffff;
	v12 =	vadd.s32 s0, v4  }
0x178: {  	v13 =	vld.idx.msk [tilespmem:v15+s14+$0x0], $0xffff;
	v14 =	vadd.s32 s23, v3  }
0x179: {  	v15 =	vld.idx.msk [tilespmem:v16+s14+$0x0], $0xffff;
	v16 =	vadd.s32 s26, v2  }
0x17a: {  	[tilespmem:s1+$0x0] =	vst v8  }
0x17b: {  	s9 =	simm.s32 $0x28;
	v17 =	vadd.s32 s28, v1;
	[tilespmem:s25+$0xFFFFFFE0] =	vst v9;
	v9 =	vld.idx.msk [tilespmem:v10+s14+$0x0], $0xffff  }
0x17c: {  	v8 =	vadd.s32 s9, v0;
	[tilespmem:s21+$0xFFFFFFC0] =	vst v11;
	v10 =	vld.idx.msk [tilespmem:v12+s14+$0x0], $0xffff  }
0x17d: {  	v11 =	vadd.s32 s31, v6;
	[tilespmem:s24+$0xFFFFFFA0] =	vst v13;
	v12 =	vld.idx.msk [tilespmem:v14+s14+$0x0], $0xffff  }
0x17e: {  	s29 =	simm.s32 $0x104D0;
	v13 =	vadd.s32 s0, v5;
	v14 =	vld.idx.msk [tilespmem:v16+s14+$0x0], $0xffff  }
0x17f: {  	[tilespmem:s29+$0xFFFFFF80] =	vst v15;
	v15 =	vadd.s32 s23, v4  }
0x180: {  	v16 =	vld.idx.msk [tilespmem:v17+s14+$0x0], $0xffff;
	v17 =	vadd.s32 s26, v3;
	[tilespmem:s1+$0x20] =	vst v9  }
0x181: {  	v18 =	vadd.s32 s28, v2;
	v8 =	vld.idx.msk [tilespmem:v8+s14+$0x0], $0xffff;
	[tilespmem:s25+$0x0] =	vst v10  }
0x182: {  	v9 =	vadd.s32 s9, v1;
	[tilespmem:s21+$0xFFFFFFE0] =	vst v12;
	v10 =	vld.idx.msk [tilespmem:v11+s14+$0x0], $0xffff  }
0x183: {  	s5 =	simm.s32 $0x30;
	[tilespmem:s24+$0xFFFFFFC0] =	vst v14;
	v14 =	vadd.s32 s31, v7;
	v19 =	vld.idx.msk [tilespmem:v13+s14+$0x0], $0xffff  }
0x184: {  	v11 =	vadd.s32 s5, v0;
	v20 =	vld.idx.msk [tilespmem:v15+s14+$0x0], $0xffff  }
0x185: {  	s3 =	simm.s32 $0x105D0;
	[tilespmem:s29+$0xFFFFFFA0] =	vst v16;
	v21 =	vld.idx.msk [tilespmem:v17+s14+$0x0], $0xffff;
	v17 =	vadd.s32 s0, v6  }
0x186: {  	v12 =	vld.idx.msk [tilespmem:v18+s14+$0x0], $0xffff;
	[tilespmem:s3+$0xFFFFFF80] =	vst v8;
	v8 =	vadd.s32 s23, v5  }
0x187: {  	v13 =	vld.idx.msk [tilespmem:v9+s14+$0x0], $0xffff;
	v9 =	vadd.s32 s26, v4;
	[tilespmem:s1+$0x40] =	vst v10  }
0x188: {  	v10 =	vld.idx.msk [tilespmem:v14+s14+$0x0], $0xffff;
	v14 =	vadd.s32 s28, v3  }
0x189: {  	v16 =	vadd.s32 s9, v2;
	v15 =	vld.idx.msk [tilespmem:v11+s14+$0x0], $0xffff;
	[tilespmem:s25+$0x20] =	vst v19  }
0x18a: {  	s6 =	simm.s32 $0x38;
	[tilespmem:s21+$0x0] =	vst v20;
	v11 =	vld.idx.msk [tilespmem:v17+s14+$0x0], $0xffff;
	v17 =	vadd.s32 s5, v1  }
0x18b: {  	s10 =	simm.s32 $0x105D0;
	s17 =	simm.s32 $0x40;
	v18 =	vadd.s32 s6, v0;
	[tilespmem:s24+$0xFFFFFFE0] =	vst v21;
	v8 =	vld.idx.msk [tilespmem:v8+s14+$0x0], $0xffff  }
.LBB2_11:
0x18c: {  	p0 =	sne.s32 s17, $0x3E0;
	[tilespmem:s29+$0xFFFFFFC0] =	vst v12;
	v19 =	vld.idx.msk [tilespmem:v9+s14+$0x0], $0xffff;
	v20 =	vadd.s32 s0, v7;
	s0 =	smov.u32 s23;
	s23 =	smov.u32 s26  }
0x18d: {  	s10 =	sadd.s32 $0x100, s10;
	s26 =	smov.u32 s28;
	s28 =	smov.u32 s9;
	[tilespmem:s3+$0xFFFFFFA0] =	vst v13;
	v21 =	vld.idx.msk [tilespmem:v14+s14+$0x0], $0xffff;
	v22 =	vadd.s32 s0, v6  }
0x18e: {  	s9 =	smov.u32 s5;
	s5 =	smov.u32 s6;
	s6 =	smov.u32 s17;
	v23 =	vadd.s32 s23, v5;
	[tilespmem:s10+$0xFFFFFF80] =	vst v15;
	v12 =	vld.idx.msk [tilespmem:v16+s14+$0x0], $0xffff  }
.Ltmp4:
0x18f: {  	v9 =	vadd.s32 s26, v4;
	v13 =	vld.idx.msk [tilespmem:v17+s14+$0x0], $0xffff;
	[tilespmem:s1+$0x60] =	vst v10;
	s1 =	smov.u32 s25;
	s25 =	smov.u32 s21;
	(pc) =	sbr.rel @p0 .LBB2_11-.Ltmp4, $4  }
0x190: {  	v14 =	vadd.s32 s28, v3;
	s21 =	smov.u32 s24;
	s24 =	smov.u32 s29;
	s29 =	smov.u32 s3;
	v15 =	vld.idx.msk [tilespmem:v18+s14+$0x0], $0xffff;
	[tilespmem:s1+$0x40] =	vst v11  }
0x191: {  	v16 =	vadd.s32 s9, v2;
	s3 =	smov.u32 s10;
	[tilespmem:s25+$0x20] =	vst v8;
	v10 =	vld.idx.msk [tilespmem:v20+s14+$0x0], $0xffff  }
0x192: {  	v17 =	vadd.s32 s5, v1;
	[tilespmem:s21+$0x0] =	vst v19;
	v11 =	vld.idx.msk [tilespmem:v22+s14+$0x0], $0xffff  }
0x193: {  	s17 =	sadd.s32 $0x8, s17;
	v18 =	vadd.s32 s6, v0;
	[tilespmem:s24+$0xFFFFFFE0] =	vst v21;
	v8 =	vld.idx.msk [tilespmem:v23+s14+$0x0], $0xffff  }
0x194: {  	_ =	sdelay $0x3  }
0x195: {  	v18 =	vld.idx.msk [tilespmem:v18+s14+$0x0], $0xffff  }
0x196: {  	v19 =	vadd.s32 s6, v1;
	_ =	sdelay $0x1  }
0x197: {  	s17 =	sadd.s32 $0x100, s10  }
0x198: {  	[tilespmem:s17+$0xFFFFFF80] =	vst v15;
	s10 =	sadd.s32 $0x100, s17  }
0x199: {  	v15 =	vld.idx.msk [tilespmem:v17+s14+$0x0], $0xffff;
	[tilespmem:s10+$0xFFFFFF80] =	vst v18  }
0x19a: {  	v33 =	vadd.s32 s5, v2;
	v18 =	vld.idx.msk [tilespmem:v19+s14+$0x0], $0xffff  }
0x19b: {  	v34 =	vadd.s32 s6, v2;
	_ =	sdelay $0x1  }
0x19c: {  	[tilespmem:s3+$0xFFFFFFA0] =	vst v13  }
0x19d: {  	v13 =	vld.idx.msk [tilespmem:v16+s14+$0x0], $0xffff;
	[tilespmem:s17+$0xFFFFFFA0] =	vst v15  }
0x19e: {  	v35 =	vadd.s32 s9, v3;
	v36 =	vld.idx.msk [tilespmem:v33+s14+$0x0], $0xffff;
	[tilespmem:s10+$0xFFFFFFA0] =	vst v18  }
0x19f: {  	v37 =	vadd.s32 s5, v3;
	v18 =	vld.idx.msk [tilespmem:v34+s14+$0x0], $0xffff  }
0x1a0: {  	v38 =	vadd.s32 s6, v3  }
0x1a1: {  	[tilespmem:s29+$0xFFFFFFC0] =	vst v12  }
0x1a2: {  	v12 =	vld.idx.msk [tilespmem:v14+s14+$0x0], $0xffff;
	[tilespmem:s3+$0xFFFFFFC0] =	vst v13  }
0x1a3: {  	v39 =	vadd.s32 s28, v4;
	v40 =	vld.idx.msk [tilespmem:v35+s14+$0x0], $0xffff;
	[tilespmem:s17+$0xFFFFFFC0] =	vst v36  }
0x1a4: {  	v41 =	vadd.s32 s9, v4;
	v16 =	vld.idx.msk [tilespmem:v37+s14+$0x0], $0xffff;
	[tilespmem:s10+$0xFFFFFFC0] =	vst v18  }
0x1a5: {  	v42 =	vadd.s32 s5, v4;
	[tilespmem:s1+$0x60] =	vst v10;
	v43 =	vld.idx.msk [tilespmem:v38+s14+$0x0], $0xffff  }
0x1a6: {  	v44 =	vadd.s32 s6, v4;
	[tilespmem:s25+$0x40] =	vst v11  }
0x1a7: {  	v9 =	vld.idx.msk [tilespmem:v9+s14+$0x0], $0xffff;
	v45 =	vadd.s32 s0, v7;
	[tilespmem:s29+$0xFFFFFFE0] =	vst v12  }
0x1a8: {  	v46 =	vadd.s32 s26, v5;
	v13 =	vld.idx.msk [tilespmem:v39+s14+$0x0], $0xffff;
	[tilespmem:s3+$0xFFFFFFE0] =	vst v40  }
0x1a9: {  	v47 =	vadd.s32 s28, v5;
	v15 =	vld.idx.msk [tilespmem:v41+s14+$0x0], $0xffff;
	[tilespmem:s17+$0xFFFFFFE0] =	vst v16  }
0x1aa: {  	v48 =	vadd.s32 s9, v5;
	v10 =	vld.idx.msk [tilespmem:v42+s14+$0x0], $0xffff;
	[tilespmem:s10+$0xFFFFFFE0] =	vst v43  }
0x1ab: {  	[tilespmem:s21+$0x20] =	vst v8;
	v8 =	vadd.s32 s5, v5;
	v11 =	vld.idx.msk [tilespmem:v44+s14+$0x0], $0xffff  }
0x1ac: {  	v50 =	vadd.s32 s6, v5;
	v49 =	vld.idx.msk [tilespmem:v45+s14+$0x0], $0xffff;
	[tilespmem:s24+$0x0] =	vst v9  }
0x1ad: {  	v51 =	vadd.s32 s23, v6;
	v12 =	vld.idx.msk [tilespmem:v46+s14+$0x0], $0xffff;
	[tilespmem:s29+$0x0] =	vst v13  }
0x1ae: {  	v52 =	vadd.s32 s26, v6;
	v14 =	vld.idx.msk [tilespmem:v47+s14+$0x0], $0xffff;
	[tilespmem:s3+$0x0] =	vst v15  }
0x1af: {  	v53 =	vadd.s32 s28, v6;
	v16 =	vld.idx.msk [tilespmem:v48+s14+$0x0], $0xffff;
	[tilespmem:s17+$0x0] =	vst v10  }
0x1b0: {  	v54 =	vadd.s32 s9, v6;
	v8 =	vld.idx.msk [tilespmem:v8+s14+$0x0], $0xffff;
	[tilespmem:s10+$0x0] =	vst v11  }
0x1b1: {  	v55 =	vadd.s32 s5, v6;
	[tilespmem:s25+$0x60] =	vst v49;
	v9 =	vld.idx.msk [tilespmem:v50+s14+$0x0], $0xffff  }
0x1b2: {  	v57 =	vadd.s32 s6, v6;
	v56 =	vld.idx.msk [tilespmem:v51+s14+$0x0], $0xffff;
	[tilespmem:s24+$0x20] =	vst v12  }
0x1b3: {  	v58 =	vadd.s32 s23, v7;
	v13 =	vld.idx.msk [tilespmem:v52+s14+$0x0], $0xffff;
	[tilespmem:s29+$0x20] =	vst v14  }
0x1b4: {  	v59 =	vadd.s32 s26, v7;
	v15 =	vld.idx.msk [tilespmem:v53+s14+$0x0], $0xffff;
	[tilespmem:s3+$0x20] =	vst v16  }
0x1b5: {  	v60 =	vadd.s32 s28, v7;
	v10 =	vld.idx.msk [tilespmem:v54+s14+$0x0], $0xffff;
	[tilespmem:s17+$0x20] =	vst v8  }
0x1b6: {  	v8 =	vadd.s32 s9, v7;
	v11 =	vld.idx.msk [tilespmem:v55+s14+$0x0], $0xffff;
	[tilespmem:s10+$0x20] =	vst v9  }
0x1b7: {  	v61 =	vadd.s32 s5, v7;
	[tilespmem:s21+$0x40] =	vst v56;
	v12 =	vld.idx.msk [tilespmem:v57+s14+$0x0], $0xffff  }
0x1b8: {  	v62 =	vadd.s32 s6, v7;
	v17 =	vld.idx.msk [tilespmem:v58+s14+$0x0], $0xffff;
	[tilespmem:s24+$0x40] =	vst v13  }
0x1b9: {  	v14 =	vld.idx.msk [tilespmem:v59+s14+$0x0], $0xffff;
	[tilespmem:s29+$0x40] =	vst v15  }
0x1ba: {  	v15 =	vld.idx.msk [tilespmem:v60+s14+$0x0], $0xffff;
	[tilespmem:s3+$0x40] =	vst v10  }
0x1bb: {  	v8 =	vld.idx.msk [tilespmem:v8+s14+$0x0], $0xffff;
	[tilespmem:s17+$0x40] =	vst v11  }
0x1bc: {  	v9 =	vld.idx.msk [tilespmem:v61+s14+$0x0], $0xffff;
	[tilespmem:s10+$0x40] =	vst v12  }
0x1bd: {  	s31 =	smul.u32 $0xFA000, s22;
	[tilespmem:s21+$0x60] =	vst v17;
	v63 =	vld.idx.msk [tilespmem:v62+s14+$0x0], $0xffff  }
0x1be: {  	[tilespmem:s24+$0x60] =	vst v14  }
0x1bf: {  	s0 =	sor.u32 s7, s31;
	[tilespmem:s29+$0x60] =	vst v15  }
0x1c0: {  	s0 =	sshrl.u32 s0, $0x3;
	[tilespmem:s3+$0x60] =	vst v8  }
0x1c1: {  	s0 =	sadd.s32 s2, s0;
	[tilespmem:s17+$0x60] =	vst v9  }
0x1c2: {  	s1 =	simm.s32 $0x400;
	s5 =	sadd.s32 $0x0, s0;
	s3 =	simm.s32 $0x10040;
	[tilespmem:s10+$0x60] =	vst v63  }
.LBB2_13:
0x1c3: {  	[hbm4b:s5+s8] =	stream.strided.scatter [tilespmem:s3], [sflag:$0x4], $0x100, s16, s8, $0x38;
	[tilespmem:$0x17D40] =	vst v63  }
0x1c4: {  	s5 =	smov.u32 s1;
	p0 =	sne.s32 s1, $0x1F000  }
.Ltmp5:
0x1c5: {  	s1 =	sadd.s32 $0x400, s1;
	(pc) =	sbr.rel @p0 .LBB2_13-.Ltmp5, $3  }
0x1c6: {  	_ =	sdelay $0x1  }
0x1c7: {  	s3 =	sshra.s32 s5, $0x2  }
0x1c8: {  	s5 =	sadd.s32 s5, s0;
	s3 =	sadd.s32 $0x10040, s3  }
0x1c9: {  	s20 =	sadd.s32 $0x1, s20  }
0x1ca: {  	p0 =	sne.s32 s20, $0x19  }
.Ltmp6:
0x1cb: {  	_ = 	snop;
	(pc) =	sbr.rel @p0 .LBB2_2-.Ltmp6, $2  }
0x1cc: {  	_ =	sdelay $0x2  }
0x1cd: {  	[hbm4b:s5+s8] =	stream.strided.scatter [tilespmem:s3], [sflag:$0x4], $0x100, s16, s8, $0x38;
	[tilespmem:$0x17D40] =	vst v63  }
0x1ce: {  	s0 =	simm.s32 $0x3  }
0x1cf: {  	_ =	swait.ge [sflag:s0], $0x7D00  }
0x1d0: {  	[sflag:s0] =	ssyncset.done $0x0  }
0x1d1: {  	[sflag:s0] =	ssyncadd.s32 $0xFFFF8300  }
0x1d2: {  	_ =	swait.ge [sflag:s18], $0x7D00  }
0x1d3: {  	s19 =	sadd.s32 $0x1, s19;
	s31 =	rddreg [dreg:$0x4]  }
0x1d4: {  	p0 =	sne.s32 s19, s31  }
.Ltmp7:
0x1d5: {  	_ = 	snop;
	(pc) =	sbr.rel @p0 .LBB2_1-.Ltmp7, $3  }
0x1d6: {  	_ =	sdelay $0x1  }
0x1d7: {  	[sflag:s18] =	ssyncset.done $0x0  }
0x1d8: {  	[sflag:s18] =	ssyncadd.s32 $0xFFFF8300  }
0x1d9: {  	_ =	sfence.sel $0x180000  }
0x1da: {  	[bflag:$0x0] =	sbarrier.arrive $0xFFFF  }
0x1db: {  	_ =	strace $0x90000047  }
0x1dc: {  	s0 =	stileid.u32;
	[bflag:$0x2] =	sbarrier.arrive $0xFFFF  }
0x1dd: {  	p0 =	sne.s32 s0, $0x0;
	s0 =	rddreg [dreg:$0x2]  }
0x1de: {  	s0 =	sadd.s32 @!p0 $0x100000, s0  }
0x1df: {  	[sflag:s0] =	ssyncadd.tile.s32 @!p0 $0x1;
	_ =	shalt  }
.Lfunc_end2:
_tile_overlayer_lowered:
.L_overlay_start_2:
0x1e0: {  	(tag) =	ssettag $0x2  }
0x1e1: {  	s0 =	rddreg [dreg:$0x0];
	s2 =	stileid.u32  }
0x1e2: {  	s1 =	rddreg [dreg:$0x1];
	p0 =	sne.s32 s2, $0x0  }
0x1e3: {  	s3 =	rddreg [dreg:$0x2];
	[bflag:$0x3] =	sbarrier.arrive $0xFFFF;
	s2 =	simm.s32 @!p0 $0x1C05  }
0x1e4: {  	[timem:s3], [sflag:s2] =	dma.local @!p0 [hbm:s0], s1  }
0x1e5: {  	s0 =	simm.s32 @!p0 $0x5  }
0x1e6: {  	_ =	swait.ge @!p0 [sflag:s0], s1  }
0x1e7: {  	s1 =	ssub.s32 @!p0 $0x0, s1;
	[sflag:s0] =	ssyncset.done @!p0 $0x0  }
0x1e8: {  	[sflag:s0] =	ssyncadd.s32 @!p0 s1  }
0x1e9: {  	[bflag:$0x3] =	sbarrier.arrive $0xFFFF  }
0x1ea: {  	_ =	shalt  }

</sc_bundles>
